<compile_context>
chip_gen: v7x
topology: tpu7x:2x2x1
jax: 0.10.2.dev20260603
libtpu: 0.0.44.dev20260713+nightly
codegen_flags: <defaults>
</compile_context>

<pallas_src>
import functools

import jax
import jax.numpy as jnp
from jax import lax
from jax.experimental import pallas as pl
from jax.experimental.pallas import tpu as pltpu
from jax.experimental.pallas import tpu_sc as plsc

N = 10000
E = 320000
D = 128
C = 40
CP = 48
W = 128

NC = 2
NS = 16
NW = NC * NS
EPW = E // NW
BC = 624
NBC = EPW // BC
TAIL = EPW - NBC * BC



def _proj_body(x_ref, wl_ref, y_ref):
    y = jnp.dot(x_ref[...], wl_ref[...], preferred_element_type=jnp.float32)
    col = lax.broadcasted_iota(jnp.int32, y.shape, 1)
    y = y + jnp.where(col == C, 1.0, 0.0)
    y3 = y.reshape(y.shape[0] // 8, 8, CP)

    def piece(i, lo, hi, shift):
        seg = y3[:, i, lo:hi]
        return jnp.pad(seg, ((0, 0), (shift, 128 - shift - (hi - lo))))

    q0 = piece(0, 0, 48, 0) + piece(1, 0, 48, 48) + piece(2, 0, 32, 96)
    q1 = (piece(2, 32, 48, 0) + piece(3, 0, 48, 16) + piece(4, 0, 48, 64)
          + piece(5, 0, 16, 112))
    q2 = piece(5, 16, 48, 0) + piece(6, 0, 48, 32) + piece(7, 0, 48, 80)
    out = jnp.stack([q0, q1, q2], axis=1)
    y_ref[...] = out.reshape(out.shape[0] * 3, 128)


def _project(x, wl48):
    blk = 2048
    oblk = blk * CP // 128
    return pl.pallas_call(
        _proj_body,
        grid=(pl.cdiv(N, blk),),
        in_specs=[
            pl.BlockSpec((blk, D), lambda i: (i, 0)),
            pl.BlockSpec((D, CP), lambda i: (0, 0)),
        ],
        out_specs=pl.BlockSpec((oblk, 128), lambda i: (i, 0)),
        out_shape=jax.ShapeDtypeStruct((N * CP // 128, 128), jnp.float32),
    )(x, wl48)



def _sc_aggregate(y, ei_flat, zeros):
    mesh = plsc.VectorSubcoreMesh(core_axis_name="c", subcore_axis_name="s")

    @functools.partial(
        pl.kernel,
        mesh=mesh,
        compiler_params=pltpu.CompilerParams(use_tc_tiling_on_sc=False),
        out_type=[
            jax.ShapeDtypeStruct((N, W), jnp.float32),
            jax.ShapeDtypeStruct((N, W), jnp.float32),
        ],
        scratch_types=[
            pltpu.VMEM((EPW,), jnp.int32),
            pltpu.VMEM((EPW,), jnp.int32),
            pltpu.VMEM((BC, CP), jnp.float32),
            pltpu.VMEM((BC, CP), jnp.float32),
            pltpu.VMEM_SHARED((N, CP), jnp.float32),
            pltpu.SemaphoreType.DMA,
            pltpu.SemaphoreType.DMA,
        ],
    )
    def k(y_hbm, ei_hbm, z_hbm, out0, out1,
          src_v, dst_v, buf0, buf1, agg, sem0, sem1):
        cid = lax.axis_index("c")
        sid = lax.axis_index("s")
        wid = cid * NS + sid
        st_lo = pl.ds(pl.multiple_of(sid * 624, 8), 624)
        st_hi = pl.ds(15 * 624, N - 15 * 624)

        @pl.when(sid < 15)
        def _():
            pltpu.sync_copy(z_hbm.at[pl.ds(0, 624)], agg.at[st_lo])

        @pl.when(sid == 15)
        def _():
            pltpu.sync_copy(z_hbm, agg.at[st_hi])

        pltpu.sync_copy(ei_hbm.at[pl.ds(wid * EPW, EPW)], src_v)
        pltpu.sync_copy(ei_hbm.at[pl.ds(E + wid * EPW, EPW)], dst_v)
        plsc.subcore_barrier()

        pltpu.async_copy(y_hbm.at[src_v.at[pl.ds(0, BC)]], buf0, sem0)

        def body(t, carry):
            r0 = 2 * BC * t
            pltpu.async_copy(y_hbm.at[src_v.at[pl.ds(r0 + BC, BC)]], buf1, sem1)
            pltpu.make_async_copy(
                y_hbm.at[src_v.at[pl.ds(r0, BC)]], buf0, sem0).wait()
            pltpu.sync_copy(buf0, agg.at[dst_v.at[pl.ds(r0, BC)]], add=True)

            @pl.when(r0 + 2 * BC < NBC * BC)
            def _():
                pltpu.async_copy(
                    y_hbm.at[src_v.at[pl.ds(r0 + 2 * BC, BC)]], buf0, sem0)

            pltpu.make_async_copy(
                y_hbm.at[src_v.at[pl.ds(r0 + BC, BC)]], buf1, sem1).wait()
            pltpu.sync_copy(buf1, agg.at[dst_v.at[pl.ds(r0 + BC, BC)]], add=True)
            return carry

        lax.fori_loop(0, NBC // 2, body, 0)

        bslice = buf0.at[pl.ds(0, TAIL)]
        pltpu.async_copy(
            y_hbm.at[src_v.at[pl.ds(NBC * BC, TAIL)]], bslice, sem0).wait()
        pltpu.sync_copy(bslice, agg.at[dst_v.at[pl.ds(NBC * BC, TAIL)]], add=True)

        plsc.subcore_barrier()

        @pl.when(jnp.logical_and(cid == 0, sid < 15))
        def _():
            pltpu.sync_copy(agg.at[st_lo], out0.at[st_lo, pl.ds(0, CP)])

        @pl.when(jnp.logical_and(cid == 0, sid == 15))
        def _():
            pltpu.sync_copy(agg.at[st_hi], out0.at[st_hi, pl.ds(0, CP)])

        @pl.when(jnp.logical_and(cid == 1, sid < 15))
        def _():
            pltpu.sync_copy(agg.at[st_lo], out1.at[st_lo, pl.ds(0, CP)])

        @pl.when(jnp.logical_and(cid == 1, sid == 15))
        def _():
            pltpu.sync_copy(agg.at[st_hi], out1.at[st_hi, pl.ds(0, CP)])

    return k(y, ei_flat, zeros)



def _combine_body(p0_ref, p1_ref, x_ref, wr_ref, b_ref, o_ref):
    agg = p0_ref[...] + p1_ref[...]
    col = lax.broadcasted_iota(jnp.int32, agg.shape, 1)
    cnt = jnp.sum(jnp.where(col == C, agg, 0.0), axis=1, keepdims=True)
    mean = agg / jnp.maximum(cnt, 1.0)
    z = jnp.dot(x_ref[...], wr_ref[...], preferred_element_type=jnp.float32)
    out = jnp.maximum(mean[:, :C] + z + b_ref[...], 0.0)
    o_ref[...] = out.T


def _combine(p0, p1, x, wr, b40):
    blk = 2048
    return pl.pallas_call(
        _combine_body,
        grid=(pl.cdiv(N, blk),),
        in_specs=[
            pl.BlockSpec((blk, W), lambda i: (i, 0)),
            pl.BlockSpec((blk, W), lambda i: (i, 0)),
            pl.BlockSpec((blk, D), lambda i: (i, 0)),
            pl.BlockSpec((D, C), lambda i: (0, 0)),
            pl.BlockSpec((1, C), lambda i: (0, 0)),
        ],
        out_specs=pl.BlockSpec((C, blk), lambda i: (0, i)),
        out_shape=jax.ShapeDtypeStruct((C, N), jnp.float32),
    )(p0, p1, x, wr, b40)



def kernel(x, edge_index, W_l, W_r, b):
    ei_flat = edge_index.astype(jnp.int32).reshape(2 * E)
    wl48 = jnp.pad(W_l, ((0, 0), (0, CP - C)))
    b40 = b.reshape(1, C)
    zeros = jnp.zeros((640, CP), jnp.float32)
    y = _project(x, wl48).reshape(N, CP)
    p0, p1 = _sc_aggregate(y, ei_flat, zeros)
    return _combine(p0, p1, x, W_r, b40).T

# --- scband reference (transcript-rebuilt; emitter-appended) ---
"""Pipeline reference for scband-gcn-38165079392788 (READ-ONLY COPY).

The authoritative reference and input builder live on the scoring server;
editing this copy changes nothing except your own understanding.
"""

import jax, jax.numpy as jnp
import numpy as np

N_NODES = 10000
N_EDGES = 320000
D_FEAT = 128
N_CLASSES = 40


def setup_inputs(seed: int = 0) -> dict:
    key = jax.random.key(seed)
    k1, k2, k3, k4, k5 = jax.random.split(key, 5)
    x = jax.random.normal(k1, (N_NODES, D_FEAT), dtype=jnp.float32)
    edge_index = jax.random.randint(k2, (2, N_EDGES), 0, N_NODES)
    # SAGEConv parameters: lin_l applied to aggregated neighbor features (with bias),
    # lin_r applied to root node features (no bias), matching PyG SAGEConv defaults.
    scale = 1.0 / np.sqrt(D_FEAT)
    W_l = jax.random.normal(k3, (D_FEAT, N_CLASSES), dtype=jnp.float32) * scale
    W_r = jax.random.normal(k4, (D_FEAT, N_CLASSES), dtype=jnp.float32) * scale
    b = jax.random.normal(k5, (N_CLASSES,), dtype=jnp.float32) * scale
    return {"x": x, "edge_index": edge_index, "W_l": W_l, "W_r": W_r, "b": b}


def reference(x, edge_index, W_l, W_r, b):
    # SAGEConv with mean aggregation (PyG default): out = lin_l(mean_{j in N(i)} x_j) + lin_r(x_i)
    src = edge_index[0]
    dst = edge_index[1]
    msgs = jnp.take(x, src, axis=0)                                   # gather  [E, D]
    agg = jax.ops.segment_sum(msgs, dst, num_segments=N_NODES)        # scatter-add [N, D]
    cnt = jax.ops.segment_sum(jnp.ones((msgs.shape[0],), dtype=x.dtype), dst, num_segments=N_NODES)
    mean = agg / jnp.clip(cnt, 1.0)[:, None]                          # mean aggregation
    out = mean @ W_l + x @ W_r + b
    return jax.nn.relu(out)

if __name__ == "__main__":
    import jax
    _d = setup_inputs()
    print(jax.jit(kernel)(*tuple(_d.values())))

</pallas_src>

<mosaic_0001>
#map = affine_map<(d0, d1) -> (0, 0)>
#map1 = affine_map<(d0, d1) -> (0)>
module attributes {stable_mosaic.version = 14 : i64} {
  func.func @k(%arg0: i32, %arg1: i32, %arg2: memref<10000x48xf32, #tpu.memory_space<hbm>>, %arg3: memref<640000xi32, #tpu.memory_space<hbm>>, %arg4: memref<640x48xf32, #tpu.memory_space<hbm>>, %arg5: memref<10000x128xf32, #tpu.memory_space<hbm>>, %arg6: memref<10000x128xf32, #tpu.memory_space<hbm>>, %arg7: memref<10000xi32, #tpu.memory_space<vmem>>, %arg8: memref<10000xi32, #tpu.memory_space<vmem>>, %arg9: memref<624x48xf32, #tpu.memory_space<vmem>>, %arg10: memref<624x48xf32, #tpu.memory_space<vmem>>, %arg11: memref<10000x48xf32, #tpu.memory_space<vmem_shared>>, %arg12: memref<!tpu.dma_semaphore, #tpu.memory_space<semaphore_mem>>, %arg13: memref<!tpu.dma_semaphore, #tpu.memory_space<semaphore_mem>>) attributes {dimension_semantics = [#tpu.dimension_semantics<core_parallel>, #tpu.dimension_semantics<subcore_parallel>], iteration_bounds = array<i64: 2, 16>, scalar_prefetch = 0 : i64, scratch_operands = 7 : i64, tpu.core_type = #tpu.core_type<sc_vector_subcore>, window_params = [{transform_indices = #map}, {transform_indices = #map1}, {transform_indices = #map}, {transform_indices = #map}, {transform_indices = #map}]} {
    %mul3A = arith.constant 16 : i32
    %mul3A_0 = arith.muli %arg0, %mul3A : i32
    %add3A = arith.addi %mul3A_0, %arg1 : i32
    %mul3A_1 = arith.constant 624 : i32
    %mul3A_2 = arith.muli %arg1, %mul3A_1 : i32
    %multiple_of3A = tpu.assume_multiple %mul3A_2, 8 : i32
    %lt3A = arith.constant 15 : i32
    %lt3A_3 = arith.cmpi slt, %arg1, %lt3A : i32
    %convert_element_type3A = arith.extui %lt3A_3 : i1 to i32
    %cond3A = arith.constant 0 : i32
    %cond3A_4 = arith.cmpi ne, %convert_element_type3A, %cond3A : i32
    scf.if %cond3A_4 {
      "tpu.region"() ({
        %run_scoped3A = tpu.sem_alloc : memref<!tpu.dma_semaphore, #tpu.memory_space<semaphore_mem>>
        %dma_start3A_71 = arith.constant 0 : i32
        %dma_start3A_72 = tpu.memref_slice %arg11[%multiple_of3A, %dma_start3A_71] : memref<10000x48xf32, #tpu.memory_space<vmem_shared>> -> memref<624x48xf32, #tpu.memory_space<vmem_shared>>
        %dma_start3A_73 = arith.constant 0 : i32
        %dma_start3A_74 = arith.constant 0 : i32
        %dma_start3A_75 = tpu.memref_slice %arg4[%dma_start3A_73, %dma_start3A_74] : memref<640x48xf32, #tpu.memory_space<hbm>> -> memref<624x48xf32, #tpu.memory_space<hbm>>
        tpu.enqueue_dma source(%dma_start3A_75 : memref<624x48xf32, #tpu.memory_space<hbm>>) target(%dma_start3A_72 : memref<624x48xf32, #tpu.memory_space<vmem_shared>>) target_semaphore(%run_scoped3A : memref<!tpu.dma_semaphore, #tpu.memory_space<semaphore_mem>>)
        %dma_wait3A_76 = arith.constant 0 : i32
        %dma_wait3A_77 = tpu.memref_slice %arg11[%multiple_of3A, %dma_wait3A_76] : memref<10000x48xf32, #tpu.memory_space<vmem_shared>> -> memref<624x48xf32, #tpu.memory_space<vmem_shared>>
        %dma_wait3A_78 = arith.constant 0 : i32
        %dma_wait3A_79 = arith.constant 0 : i32
        %dma_wait3A_80 = tpu.memref_slice %arg4[%dma_wait3A_78, %dma_wait3A_79] : memref<640x48xf32, #tpu.memory_space<hbm>> -> memref<624x48xf32, #tpu.memory_space<hbm>>
        tpu.wait_dma2 semaphore(%run_scoped3A : memref<!tpu.dma_semaphore, #tpu.memory_space<semaphore_mem>>) src(%dma_wait3A_80 : memref<624x48xf32, #tpu.memory_space<hbm>>) dst(%dma_wait3A_77 : memref<624x48xf32, #tpu.memory_space<vmem_shared>>)
        tpu.yield
      }) : () -> ()
    } else {
    }
    %eq3A = arith.constant 15 : i32
    %eq3A_5 = arith.cmpi eq, %arg1, %eq3A : i32
    %convert_element_type3A_6 = arith.extui %eq3A_5 : i1 to i32
    %cond3A_7 = arith.constant 0 : i32
    %cond3A_8 = arith.cmpi ne, %convert_element_type3A_6, %cond3A_7 : i32
    scf.if %cond3A_8 {
      "tpu.region"() ({
        %run_scoped3A = tpu.sem_alloc : memref<!tpu.dma_semaphore, #tpu.memory_space<semaphore_mem>>
        %dma_start3A_71 = arith.constant 9360 : i32
        %dma_start3A_72 = arith.constant 0 : i32
        %dma_start3A_73 = tpu.memref_slice %arg11[%dma_start3A_71, %dma_start3A_72] : memref<10000x48xf32, #tpu.memory_space<vmem_shared>> -> memref<640x48xf32, #tpu.memory_space<vmem_shared>>
        tpu.enqueue_dma source(%arg4 : memref<640x48xf32, #tpu.memory_space<hbm>>) target(%dma_start3A_73 : memref<640x48xf32, #tpu.memory_space<vmem_shared>>) target_semaphore(%run_scoped3A : memref<!tpu.dma_semaphore, #tpu.memory_space<semaphore_mem>>)
        %dma_wait3A_74 = arith.constant 9360 : i32
        %dma_wait3A_75 = arith.constant 0 : i32
        %dma_wait3A_76 = tpu.memref_slice %arg11[%dma_wait3A_74, %dma_wait3A_75] : memref<10000x48xf32, #tpu.memory_space<vmem_shared>> -> memref<640x48xf32, #tpu.memory_space<vmem_shared>>
        tpu.wait_dma2 semaphore(%run_scoped3A : memref<!tpu.dma_semaphore, #tpu.memory_space<semaphore_mem>>) src(%arg4 : memref<640x48xf32, #tpu.memory_space<hbm>>) dst(%dma_wait3A_76 : memref<640x48xf32, #tpu.memory_space<vmem_shared>>)
        tpu.yield
      }) : () -> ()
    } else {
    }
    %mul3A_9 = arith.constant 10000 : i32
    %mul3A_10 = arith.muli %add3A, %mul3A_9 : i32
    "tpu.region"() ({
      %run_scoped3A = tpu.sem_alloc : memref<!tpu.dma_semaphore, #tpu.memory_space<semaphore_mem>>
      %dma_start3A_71 = tpu.memref_slice %arg3[%mul3A_10] : memref<640000xi32, #tpu.memory_space<hbm>> -> memref<10000xi32, #tpu.memory_space<hbm>>
      %dma_start3A_72 = tpu.memref_slice %arg3[%mul3A_10] : memref<640000xi32, #tpu.memory_space<hbm>> -> memref<10000xi32, #tpu.memory_space<hbm>>
      tpu.enqueue_dma source(%dma_start3A_72 : memref<10000xi32, #tpu.memory_space<hbm>>) target(%arg7 : memref<10000xi32, #tpu.memory_space<vmem>>) target_semaphore(%run_scoped3A : memref<!tpu.dma_semaphore, #tpu.memory_space<semaphore_mem>>)
      %dma_wait3A_73 = tpu.memref_slice %arg3[%mul3A_10] : memref<640000xi32, #tpu.memory_space<hbm>> -> memref<10000xi32, #tpu.memory_space<hbm>>
      %dma_wait3A_74 = tpu.memref_slice %arg3[%mul3A_10] : memref<640000xi32, #tpu.memory_space<hbm>> -> memref<10000xi32, #tpu.memory_space<hbm>>
      tpu.wait_dma2 semaphore(%run_scoped3A : memref<!tpu.dma_semaphore, #tpu.memory_space<semaphore_mem>>) src(%dma_wait3A_74 : memref<10000xi32, #tpu.memory_space<hbm>>) dst(%arg7 : memref<10000xi32, #tpu.memory_space<vmem>>)
      tpu.yield
    }) : () -> ()
    %mul3A_11 = arith.constant 10000 : i32
    %mul3A_12 = arith.muli %add3A, %mul3A_11 : i32
    %add3A_13 = arith.constant 320000 : i32
    %add3A_14 = arith.addi %add3A_13, %mul3A_12 : i32
    "tpu.region"() ({
      %run_scoped3A = tpu.sem_alloc : memref<!tpu.dma_semaphore, #tpu.memory_space<semaphore_mem>>
      %dma_start3A_71 = tpu.memref_slice %arg3[%add3A_14] : memref<640000xi32, #tpu.memory_space<hbm>> -> memref<10000xi32, #tpu.memory_space<hbm>>
      %dma_start3A_72 = tpu.memref_slice %arg3[%add3A_14] : memref<640000xi32, #tpu.memory_space<hbm>> -> memref<10000xi32, #tpu.memory_space<hbm>>
      tpu.enqueue_dma source(%dma_start3A_72 : memref<10000xi32, #tpu.memory_space<hbm>>) target(%arg8 : memref<10000xi32, #tpu.memory_space<vmem>>) target_semaphore(%run_scoped3A : memref<!tpu.dma_semaphore, #tpu.memory_space<semaphore_mem>>)
      %dma_wait3A_73 = tpu.memref_slice %arg3[%add3A_14] : memref<640000xi32, #tpu.memory_space<hbm>> -> memref<10000xi32, #tpu.memory_space<hbm>>
      %dma_wait3A_74 = tpu.memref_slice %arg3[%add3A_14] : memref<640000xi32, #tpu.memory_space<hbm>> -> memref<10000xi32, #tpu.memory_space<hbm>>
      tpu.wait_dma2 semaphore(%run_scoped3A : memref<!tpu.dma_semaphore, #tpu.memory_space<semaphore_mem>>) src(%dma_wait3A_74 : memref<10000xi32, #tpu.memory_space<hbm>>) dst(%arg8 : memref<10000xi32, #tpu.memory_space<vmem>>)
      tpu.yield
    }) : () -> ()
    %barrier3A = arith.constant 0 : index
    tpu.barrier barrier_id(%barrier3A)
    %dma_start3A = arith.constant 0 : i32
    %dma_start3A_15 = tpu.memref_slice %arg7[%dma_start3A] : memref<10000xi32, #tpu.memory_space<vmem>> -> memref<624xi32, #tpu.memory_space<vmem>>
    %dma_start3A_16 = arith.constant 0 : i32
    %dma_start3A_17 = arith.constant 0 : i32
    %dma_start3A_18 = tpu.memref_slice %arg2[%dma_start3A_16, %dma_start3A_17] : memref<10000x48xf32, #tpu.memory_space<hbm>> -> memref<10000x48xf32, #tpu.memory_space<hbm>>
    tpu.enqueue_indirect_dma source(%dma_start3A_18 : memref<10000x48xf32, #tpu.memory_space<hbm>>) target(%arg9 : memref<624x48xf32, #tpu.memory_space<vmem>>) offsets(%dma_start3A_15 : memref<624xi32, #tpu.memory_space<vmem>>) semaphore(%arg12 : memref<!tpu.dma_semaphore, #tpu.memory_space<semaphore_mem>>)
    %scan3A = arith.constant 0 : i32
    %scan3A_19 = arith.constant 0 : i32
    %scan3A_20 = arith.constant 8 : i32
    %scan3A_21 = arith.addi %scan3A_19, %scan3A_20 : i32
    %scan3A_22 = arith.constant 1 : i32
    scf.for %scan3A_71 = %scan3A_19 to %scan3A_21 step %scan3A_22  : i32 {
      %mul3A_72 = arith.constant 1248 : i32
      %mul3A_73 = arith.muli %mul3A_72, %scan3A_71 : i32
      %add3A_74 = arith.constant 624 : i32
      %add3A_75 = arith.addi %mul3A_73, %add3A_74 : i32
      %dma_start3A_76 = tpu.memref_slice %arg7[%add3A_75] : memref<10000xi32, #tpu.memory_space<vmem>> -> memref<624xi32, #tpu.memory_space<vmem>>
      %dma_start3A_77 = arith.constant 0 : i32
      %dma_start3A_78 = arith.constant 0 : i32
      %dma_start3A_79 = tpu.memref_slice %arg2[%dma_start3A_77, %dma_start3A_78] : memref<10000x48xf32, #tpu.memory_space<hbm>> -> memref<10000x48xf32, #tpu.memory_space<hbm>>
      tpu.enqueue_indirect_dma source(%dma_start3A_79 : memref<10000x48xf32, #tpu.memory_space<hbm>>) target(%arg10 : memref<624x48xf32, #tpu.memory_space<vmem>>) offsets(%dma_start3A_76 : memref<624xi32, #tpu.memory_space<vmem>>) semaphore(%arg13 : memref<!tpu.dma_semaphore, #tpu.memory_space<semaphore_mem>>)
      %dma_wait3A_80 = tpu.memref_slice %arg7[%mul3A_73] : memref<10000xi32, #tpu.memory_space<vmem>> -> memref<624xi32, #tpu.memory_space<vmem>>
      %dma_wait3A_81 = arith.constant 0 : i32
      %dma_wait3A_82 = arith.constant 0 : i32
      %dma_wait3A_83 = tpu.memref_slice %arg2[%dma_wait3A_81, %dma_wait3A_82] : memref<10000x48xf32, #tpu.memory_space<hbm>> -> memref<10000x48xf32, #tpu.memory_space<hbm>>
      tpu.wait_indirect_dma semaphore(%arg12 : memref<!tpu.dma_semaphore, #tpu.memory_space<semaphore_mem>>) src(%dma_wait3A_83 : memref<10000x48xf32, #tpu.memory_space<hbm>>) dst(%arg9 : memref<624x48xf32, #tpu.memory_space<vmem>>)
      "tpu.region"() ({
        %run_scoped3A = tpu.sem_alloc : memref<!tpu.dma_semaphore, #tpu.memory_space<semaphore_mem>>
        %dma_start3A_99 = tpu.memref_slice %arg8[%mul3A_73] : memref<10000xi32, #tpu.memory_space<vmem>> -> memref<624xi32, #tpu.memory_space<vmem>>
        %dma_start3A_100 = arith.constant 0 : i32
        %dma_start3A_101 = arith.constant 0 : i32
        %dma_start3A_102 = tpu.memref_slice %arg11[%dma_start3A_100, %dma_start3A_101] : memref<10000x48xf32, #tpu.memory_space<vmem_shared>> -> memref<10000x48xf32, #tpu.memory_space<vmem_shared>>
        tpu.enqueue_indirect_dma source(%arg9 : memref<624x48xf32, #tpu.memory_space<vmem>>) target(%dma_start3A_102 : memref<10000x48xf32, #tpu.memory_space<vmem_shared>>) offsets(%dma_start3A_99 : memref<624xi32, #tpu.memory_space<vmem>>) semaphore(%run_scoped3A : memref<!tpu.dma_semaphore, #tpu.memory_space<semaphore_mem>>) {add = true}
        %dma_wait3A_103 = tpu.memref_slice %arg8[%mul3A_73] : memref<10000xi32, #tpu.memory_space<vmem>> -> memref<624xi32, #tpu.memory_space<vmem>>
        %dma_wait3A_104 = arith.constant 0 : i32
        %dma_wait3A_105 = arith.constant 0 : i32
        %dma_wait3A_106 = tpu.memref_slice %arg11[%dma_wait3A_104, %dma_wait3A_105] : memref<10000x48xf32, #tpu.memory_space<vmem_shared>> -> memref<10000x48xf32, #tpu.memory_space<vmem_shared>>
        tpu.wait_indirect_dma semaphore(%run_scoped3A : memref<!tpu.dma_semaphore, #tpu.memory_space<semaphore_mem>>) src(%arg9 : memref<624x48xf32, #tpu.memory_space<vmem>>) dst(%dma_wait3A_106 : memref<10000x48xf32, #tpu.memory_space<vmem_shared>>)
        tpu.yield
      }) : () -> ()
      %add3A_84 = arith.constant 1248 : i32
      %add3A_85 = arith.addi %mul3A_73, %add3A_84 : i32
      %lt3A_86 = arith.constant 9984 : i32
      %lt3A_87 = arith.cmpi slt, %add3A_85, %lt3A_86 : i32
      %convert_element_type3A_88 = arith.extui %lt3A_87 : i1 to i32
      %cond3A_89 = arith.constant 0 : i32
      %cond3A_90 = arith.cmpi ne, %convert_element_type3A_88, %cond3A_89 : i32
      scf.if %cond3A_90 {
        %add3A_99 = arith.constant 1248 : i32
        %add3A_100 = arith.addi %mul3A_73, %add3A_99 : i32
        %dma_start3A_101 = tpu.memref_slice %arg7[%add3A_100] : memref<10000xi32, #tpu.memory_space<vmem>> -> memref<624xi32, #tpu.memory_space<vmem>>
        %dma_start3A_102 = arith.constant 0 : i32
        %dma_start3A_103 = arith.constant 0 : i32
        %dma_start3A_104 = tpu.memref_slice %arg2[%dma_start3A_102, %dma_start3A_103] : memref<10000x48xf32, #tpu.memory_space<hbm>> -> memref<10000x48xf32, #tpu.memory_space<hbm>>
        tpu.enqueue_indirect_dma source(%dma_start3A_104 : memref<10000x48xf32, #tpu.memory_space<hbm>>) target(%arg9 : memref<624x48xf32, #tpu.memory_space<vmem>>) offsets(%dma_start3A_101 : memref<624xi32, #tpu.memory_space<vmem>>) semaphore(%arg12 : memref<!tpu.dma_semaphore, #tpu.memory_space<semaphore_mem>>)
      } else {
      }
      %add3A_91 = arith.constant 624 : i32
      %add3A_92 = arith.addi %mul3A_73, %add3A_91 : i32
      %dma_wait3A_93 = tpu.memref_slice %arg7[%add3A_92] : memref<10000xi32, #tpu.memory_space<vmem>> -> memref<624xi32, #tpu.memory_space<vmem>>
      %dma_wait3A_94 = arith.constant 0 : i32
      %dma_wait3A_95 = arith.constant 0 : i32
      %dma_wait3A_96 = tpu.memref_slice %arg2[%dma_wait3A_94, %dma_wait3A_95] : memref<10000x48xf32, #tpu.memory_space<hbm>> -> memref<10000x48xf32, #tpu.memory_space<hbm>>
      tpu.wait_indirect_dma semaphore(%arg13 : memref<!tpu.dma_semaphore, #tpu.memory_space<semaphore_mem>>) src(%dma_wait3A_96 : memref<10000x48xf32, #tpu.memory_space<hbm>>) dst(%arg10 : memref<624x48xf32, #tpu.memory_space<vmem>>)
      %add3A_97 = arith.constant 624 : i32
      %add3A_98 = arith.addi %mul3A_73, %add3A_97 : i32
      "tpu.region"() ({
        %run_scoped3A = tpu.sem_alloc : memref<!tpu.dma_semaphore, #tpu.memory_space<semaphore_mem>>
        %dma_start3A_99 = tpu.memref_slice %arg8[%add3A_98] : memref<10000xi32, #tpu.memory_space<vmem>> -> memref<624xi32, #tpu.memory_space<vmem>>
        %dma_start3A_100 = arith.constant 0 : i32
        %dma_start3A_101 = arith.constant 0 : i32
        %dma_start3A_102 = tpu.memref_slice %arg11[%dma_start3A_100, %dma_start3A_101] : memref<10000x48xf32, #tpu.memory_space<vmem_shared>> -> memref<10000x48xf32, #tpu.memory_space<vmem_shared>>
        tpu.enqueue_indirect_dma source(%arg10 : memref<624x48xf32, #tpu.memory_space<vmem>>) target(%dma_start3A_102 : memref<10000x48xf32, #tpu.memory_space<vmem_shared>>) offsets(%dma_start3A_99 : memref<624xi32, #tpu.memory_space<vmem>>) semaphore(%run_scoped3A : memref<!tpu.dma_semaphore, #tpu.memory_space<semaphore_mem>>) {add = true}
        %dma_wait3A_103 = tpu.memref_slice %arg8[%add3A_98] : memref<10000xi32, #tpu.memory_space<vmem>> -> memref<624xi32, #tpu.memory_space<vmem>>
        %dma_wait3A_104 = arith.constant 0 : i32
        %dma_wait3A_105 = arith.constant 0 : i32
        %dma_wait3A_106 = tpu.memref_slice %arg11[%dma_wait3A_104, %dma_wait3A_105] : memref<10000x48xf32, #tpu.memory_space<vmem_shared>> -> memref<10000x48xf32, #tpu.memory_space<vmem_shared>>
        tpu.wait_indirect_dma semaphore(%run_scoped3A : memref<!tpu.dma_semaphore, #tpu.memory_space<semaphore_mem>>) src(%arg10 : memref<624x48xf32, #tpu.memory_space<vmem>>) dst(%dma_wait3A_106 : memref<10000x48xf32, #tpu.memory_space<vmem_shared>>)
        tpu.yield
      }) : () -> ()
    }
    %scan3A_23 = arith.constant 8 : i32
    %dma_start3A_24 = arith.constant 0 : i32
    %dma_start3A_25 = arith.constant 0 : i32
    %dma_start3A_26 = tpu.memref_slice %arg9[%dma_start3A_24, %dma_start3A_25] : memref<624x48xf32, #tpu.memory_space<vmem>> -> memref<16x48xf32, #tpu.memory_space<vmem>>
    %dma_start3A_27 = arith.constant 9984 : i32
    %dma_start3A_28 = tpu.memref_slice %arg7[%dma_start3A_27] : memref<10000xi32, #tpu.memory_space<vmem>> -> memref<16xi32, #tpu.memory_space<vmem>>
    %dma_start3A_29 = arith.constant 0 : i32
    %dma_start3A_30 = arith.constant 0 : i32
    %dma_start3A_31 = tpu.memref_slice %arg2[%dma_start3A_29, %dma_start3A_30] : memref<10000x48xf32, #tpu.memory_space<hbm>> -> memref<10000x48xf32, #tpu.memory_space<hbm>>
    tpu.enqueue_indirect_dma source(%dma_start3A_31 : memref<10000x48xf32, #tpu.memory_space<hbm>>) target(%dma_start3A_26 : memref<16x48xf32, #tpu.memory_space<vmem>>) offsets(%dma_start3A_28 : memref<16xi32, #tpu.memory_space<vmem>>) semaphore(%arg12 : memref<!tpu.dma_semaphore, #tpu.memory_space<semaphore_mem>>)
    %dma_wait3A = arith.constant 0 : i32
    %dma_wait3A_32 = arith.constant 0 : i32
    %dma_wait3A_33 = tpu.memref_slice %arg9[%dma_wait3A, %dma_wait3A_32] : memref<624x48xf32, #tpu.memory_space<vmem>> -> memref<16x48xf32, #tpu.memory_space<vmem>>
    %dma_wait3A_34 = arith.constant 9984 : i32
    %dma_wait3A_35 = tpu.memref_slice %arg7[%dma_wait3A_34] : memref<10000xi32, #tpu.memory_space<vmem>> -> memref<16xi32, #tpu.memory_space<vmem>>
    %dma_wait3A_36 = arith.constant 0 : i32
    %dma_wait3A_37 = arith.constant 0 : i32
    %dma_wait3A_38 = tpu.memref_slice %arg2[%dma_wait3A_36, %dma_wait3A_37] : memref<10000x48xf32, #tpu.memory_space<hbm>> -> memref<10000x48xf32, #tpu.memory_space<hbm>>
    tpu.wait_indirect_dma semaphore(%arg12 : memref<!tpu.dma_semaphore, #tpu.memory_space<semaphore_mem>>) src(%dma_wait3A_38 : memref<10000x48xf32, #tpu.memory_space<hbm>>) dst(%dma_wait3A_33 : memref<16x48xf32, #tpu.memory_space<vmem>>)
    "tpu.region"() ({
      %run_scoped3A = tpu.sem_alloc : memref<!tpu.dma_semaphore, #tpu.memory_space<semaphore_mem>>
      %dma_start3A_71 = arith.constant 0 : i32
      %dma_start3A_72 = arith.constant 0 : i32
      %dma_start3A_73 = tpu.memref_slice %arg9[%dma_start3A_71, %dma_start3A_72] : memref<624x48xf32, #tpu.memory_space<vmem>> -> memref<16x48xf32, #tpu.memory_space<vmem>>
      %dma_start3A_74 = arith.constant 9984 : i32
      %dma_start3A_75 = tpu.memref_slice %arg8[%dma_start3A_74] : memref<10000xi32, #tpu.memory_space<vmem>> -> memref<16xi32, #tpu.memory_space<vmem>>
      %dma_start3A_76 = arith.constant 0 : i32
      %dma_start3A_77 = arith.constant 0 : i32
      %dma_start3A_78 = tpu.memref_slice %arg11[%dma_start3A_76, %dma_start3A_77] : memref<10000x48xf32, #tpu.memory_space<vmem_shared>> -> memref<10000x48xf32, #tpu.memory_space<vmem_shared>>
      tpu.enqueue_indirect_dma source(%dma_start3A_73 : memref<16x48xf32, #tpu.memory_space<vmem>>) target(%dma_start3A_78 : memref<10000x48xf32, #tpu.memory_space<vmem_shared>>) offsets(%dma_start3A_75 : memref<16xi32, #tpu.memory_space<vmem>>) semaphore(%run_scoped3A : memref<!tpu.dma_semaphore, #tpu.memory_space<semaphore_mem>>) {add = true}
      %dma_wait3A_79 = arith.constant 0 : i32
      %dma_wait3A_80 = arith.constant 0 : i32
      %dma_wait3A_81 = tpu.memref_slice %arg9[%dma_wait3A_79, %dma_wait3A_80] : memref<624x48xf32, #tpu.memory_space<vmem>> -> memref<16x48xf32, #tpu.memory_space<vmem>>
      %dma_wait3A_82 = arith.constant 9984 : i32
      %dma_wait3A_83 = tpu.memref_slice %arg8[%dma_wait3A_82] : memref<10000xi32, #tpu.memory_space<vmem>> -> memref<16xi32, #tpu.memory_space<vmem>>
      %dma_wait3A_84 = arith.constant 0 : i32
      %dma_wait3A_85 = arith.constant 0 : i32
      %dma_wait3A_86 = tpu.memref_slice %arg11[%dma_wait3A_84, %dma_wait3A_85] : memref<10000x48xf32, #tpu.memory_space<vmem_shared>> -> memref<10000x48xf32, #tpu.memory_space<vmem_shared>>
      tpu.wait_indirect_dma semaphore(%run_scoped3A : memref<!tpu.dma_semaphore, #tpu.memory_space<semaphore_mem>>) src(%dma_wait3A_81 : memref<16x48xf32, #tpu.memory_space<vmem>>) dst(%dma_wait3A_86 : memref<10000x48xf32, #tpu.memory_space<vmem_shared>>)
      tpu.yield
    }) : () -> ()
    %barrier3A_39 = arith.constant 0 : index
    tpu.barrier barrier_id(%barrier3A_39)
    %eq3A_40 = arith.constant 0 : i32
    %eq3A_41 = arith.cmpi eq, %arg0, %eq3A_40 : i32
    %lt3A_42 = arith.constant 15 : i32
    %lt3A_43 = arith.cmpi slt, %arg1, %lt3A_42 : i32
    %and3A = arith.andi %eq3A_41, %lt3A_43 : i1
    %convert_element_type3A_44 = arith.extui %and3A : i1 to i32
    %cond3A_45 = arith.constant 0 : i32
    %cond3A_46 = arith.cmpi ne, %convert_element_type3A_44, %cond3A_45 : i32
    scf.if %cond3A_46 {
      "tpu.region"() ({
        %run_scoped3A = tpu.sem_alloc : memref<!tpu.dma_semaphore, #tpu.memory_space<semaphore_mem>>
        %dma_start3A_71 = arith.constant 0 : i32
        %dma_start3A_72 = tpu.memref_slice %arg5[%multiple_of3A, %dma_start3A_71] : memref<10000x128xf32, #tpu.memory_space<hbm>> -> memref<624x48xf32, #tpu.memory_space<hbm>>
        %dma_start3A_73 = arith.constant 0 : i32
        %dma_start3A_74 = tpu.memref_slice %arg11[%multiple_of3A, %dma_start3A_73] : memref<10000x48xf32, #tpu.memory_space<vmem_shared>> -> memref<624x48xf32, #tpu.memory_space<vmem_shared>>
        tpu.enqueue_dma source(%dma_start3A_74 : memref<624x48xf32, #tpu.memory_space<vmem_shared>>) target(%dma_start3A_72 : memref<624x48xf32, #tpu.memory_space<hbm>>) target_semaphore(%run_scoped3A : memref<!tpu.dma_semaphore, #tpu.memory_space<semaphore_mem>>)
        %dma_wait3A_75 = arith.constant 0 : i32
        %dma_wait3A_76 = tpu.memref_slice %arg5[%multiple_of3A, %dma_wait3A_75] : memref<10000x128xf32, #tpu.memory_space<hbm>> -> memref<624x48xf32, #tpu.memory_space<hbm>>
        %dma_wait3A_77 = arith.constant 0 : i32
        %dma_wait3A_78 = tpu.memref_slice %arg11[%multiple_of3A, %dma_wait3A_77] : memref<10000x48xf32, #tpu.memory_space<vmem_shared>> -> memref<624x48xf32, #tpu.memory_space<vmem_shared>>
        tpu.wait_dma2 semaphore(%run_scoped3A : memref<!tpu.dma_semaphore, #tpu.memory_space<semaphore_mem>>) src(%dma_wait3A_78 : memref<624x48xf32, #tpu.memory_space<vmem_shared>>) dst(%dma_wait3A_76 : memref<624x48xf32, #tpu.memory_space<hbm>>)
        tpu.yield
      }) : () -> ()
    } else {
    }
    %eq3A_47 = arith.constant 0 : i32
    %eq3A_48 = arith.cmpi eq, %arg0, %eq3A_47 : i32
    %eq3A_49 = arith.constant 15 : i32
    %eq3A_50 = arith.cmpi eq, %arg1, %eq3A_49 : i32
    %and3A_51 = arith.andi %eq3A_48, %eq3A_50 : i1
    %convert_element_type3A_52 = arith.extui %and3A_51 : i1 to i32
    %cond3A_53 = arith.constant 0 : i32
    %cond3A_54 = arith.cmpi ne, %convert_element_type3A_52, %cond3A_53 : i32
    scf.if %cond3A_54 {
      "tpu.region"() ({
        %run_scoped3A = tpu.sem_alloc : memref<!tpu.dma_semaphore, #tpu.memory_space<semaphore_mem>>
        %dma_start3A_71 = arith.constant 9360 : i32
        %dma_start3A_72 = arith.constant 0 : i32
        %dma_start3A_73 = tpu.memref_slice %arg5[%dma_start3A_71, %dma_start3A_72] : memref<10000x128xf32, #tpu.memory_space<hbm>> -> memref<640x48xf32, #tpu.memory_space<hbm>>
        %dma_start3A_74 = arith.constant 9360 : i32
        %dma_start3A_75 = arith.constant 0 : i32
        %dma_start3A_76 = tpu.memref_slice %arg11[%dma_start3A_74, %dma_start3A_75] : memref<10000x48xf32, #tpu.memory_space<vmem_shared>> -> memref<640x48xf32, #tpu.memory_space<vmem_shared>>
        tpu.enqueue_dma source(%dma_start3A_76 : memref<640x48xf32, #tpu.memory_space<vmem_shared>>) target(%dma_start3A_73 : memref<640x48xf32, #tpu.memory_space<hbm>>) target_semaphore(%run_scoped3A : memref<!tpu.dma_semaphore, #tpu.memory_space<semaphore_mem>>)
        %dma_wait3A_77 = arith.constant 9360 : i32
        %dma_wait3A_78 = arith.constant 0 : i32
        %dma_wait3A_79 = tpu.memref_slice %arg5[%dma_wait3A_77, %dma_wait3A_78] : memref<10000x128xf32, #tpu.memory_space<hbm>> -> memref<640x48xf32, #tpu.memory_space<hbm>>
        %dma_wait3A_80 = arith.constant 9360 : i32
        %dma_wait3A_81 = arith.constant 0 : i32
        %dma_wait3A_82 = tpu.memref_slice %arg11[%dma_wait3A_80, %dma_wait3A_81] : memref<10000x48xf32, #tpu.memory_space<vmem_shared>> -> memref<640x48xf32, #tpu.memory_space<vmem_shared>>
        tpu.wait_dma2 semaphore(%run_scoped3A : memref<!tpu.dma_semaphore, #tpu.memory_space<semaphore_mem>>) src(%dma_wait3A_82 : memref<640x48xf32, #tpu.memory_space<vmem_shared>>) dst(%dma_wait3A_79 : memref<640x48xf32, #tpu.memory_space<hbm>>)
        tpu.yield
      }) : () -> ()
    } else {
    }
    %eq3A_55 = arith.constant 1 : i32
    %eq3A_56 = arith.cmpi eq, %arg0, %eq3A_55 : i32
    %lt3A_57 = arith.constant 15 : i32
    %lt3A_58 = arith.cmpi slt, %arg1, %lt3A_57 : i32
    %and3A_59 = arith.andi %eq3A_56, %lt3A_58 : i1
    %convert_element_type3A_60 = arith.extui %and3A_59 : i1 to i32
    %cond3A_61 = arith.constant 0 : i32
    %cond3A_62 = arith.cmpi ne, %convert_element_type3A_60, %cond3A_61 : i32
    scf.if %cond3A_62 {
      "tpu.region"() ({
        %run_scoped3A = tpu.sem_alloc : memref<!tpu.dma_semaphore, #tpu.memory_space<semaphore_mem>>
        %dma_start3A_71 = arith.constant 0 : i32
        %dma_start3A_72 = tpu.memref_slice %arg6[%multiple_of3A, %dma_start3A_71] : memref<10000x128xf32, #tpu.memory_space<hbm>> -> memref<624x48xf32, #tpu.memory_space<hbm>>
        %dma_start3A_73 = arith.constant 0 : i32
        %dma_start3A_74 = tpu.memref_slice %arg11[%multiple_of3A, %dma_start3A_73] : memref<10000x48xf32, #tpu.memory_space<vmem_shared>> -> memref<624x48xf32, #tpu.memory_space<vmem_shared>>
        tpu.enqueue_dma source(%dma_start3A_74 : memref<624x48xf32, #tpu.memory_space<vmem_shared>>) target(%dma_start3A_72 : memref<624x48xf32, #tpu.memory_space<hbm>>) target_semaphore(%run_scoped3A : memref<!tpu.dma_semaphore, #tpu.memory_space<semaphore_mem>>)
        %dma_wait3A_75 = arith.constant 0 : i32
        %dma_wait3A_76 = tpu.memref_slice %arg6[%multiple_of3A, %dma_wait3A_75] : memref<10000x128xf32, #tpu.memory_space<hbm>> -> memref<624x48xf32, #tpu.memory_space<hbm>>
        %dma_wait3A_77 = arith.constant 0 : i32
        %dma_wait3A_78 = tpu.memref_slice %arg11[%multiple_of3A, %dma_wait3A_77] : memref<10000x48xf32, #tpu.memory_space<vmem_shared>> -> memref<624x48xf32, #tpu.memory_space<vmem_shared>>
        tpu.wait_dma2 semaphore(%run_scoped3A : memref<!tpu.dma_semaphore, #tpu.memory_space<semaphore_mem>>) src(%dma_wait3A_78 : memref<624x48xf32, #tpu.memory_space<vmem_shared>>) dst(%dma_wait3A_76 : memref<624x48xf32, #tpu.memory_space<hbm>>)
        tpu.yield
      }) : () -> ()
    } else {
    }
    %eq3A_63 = arith.constant 1 : i32
    %eq3A_64 = arith.cmpi eq, %arg0, %eq3A_63 : i32
    %eq3A_65 = arith.constant 15 : i32
    %eq3A_66 = arith.cmpi eq, %arg1, %eq3A_65 : i32
    %and3A_67 = arith.andi %eq3A_64, %eq3A_66 : i1
    %convert_element_type3A_68 = arith.extui %and3A_67 : i1 to i32
    %cond3A_69 = arith.constant 0 : i32
    %cond3A_70 = arith.cmpi ne, %convert_element_type3A_68, %cond3A_69 : i32
    scf.if %cond3A_70 {
      "tpu.region"() ({
        %run_scoped3A = tpu.sem_alloc : memref<!tpu.dma_semaphore, #tpu.memory_space<semaphore_mem>>
        %dma_start3A_71 = arith.constant 9360 : i32
        %dma_start3A_72 = arith.constant 0 : i32
        %dma_start3A_73 = tpu.memref_slice %arg6[%dma_start3A_71, %dma_start3A_72] : memref<10000x128xf32, #tpu.memory_space<hbm>> -> memref<640x48xf32, #tpu.memory_space<hbm>>
        %dma_start3A_74 = arith.constant 9360 : i32
        %dma_start3A_75 = arith.constant 0 : i32
        %dma_start3A_76 = tpu.memref_slice %arg11[%dma_start3A_74, %dma_start3A_75] : memref<10000x48xf32, #tpu.memory_space<vmem_shared>> -> memref<640x48xf32, #tpu.memory_space<vmem_shared>>
        tpu.enqueue_dma source(%dma_start3A_76 : memref<640x48xf32, #tpu.memory_space<vmem_shared>>) target(%dma_start3A_73 : memref<640x48xf32, #tpu.memory_space<hbm>>) target_semaphore(%run_scoped3A : memref<!tpu.dma_semaphore, #tpu.memory_space<semaphore_mem>>)
        %dma_wait3A_77 = arith.constant 9360 : i32
        %dma_wait3A_78 = arith.constant 0 : i32
        %dma_wait3A_79 = tpu.memref_slice %arg6[%dma_wait3A_77, %dma_wait3A_78] : memref<10000x128xf32, #tpu.memory_space<hbm>> -> memref<640x48xf32, #tpu.memory_space<hbm>>
        %dma_wait3A_80 = arith.constant 9360 : i32
        %dma_wait3A_81 = arith.constant 0 : i32
        %dma_wait3A_82 = tpu.memref_slice %arg11[%dma_wait3A_80, %dma_wait3A_81] : memref<10000x48xf32, #tpu.memory_space<vmem_shared>> -> memref<640x48xf32, #tpu.memory_space<vmem_shared>>
        tpu.wait_dma2 semaphore(%run_scoped3A : memref<!tpu.dma_semaphore, #tpu.memory_space<semaphore_mem>>) src(%dma_wait3A_82 : memref<640x48xf32, #tpu.memory_space<vmem_shared>>) dst(%dma_wait3A_79 : memref<640x48xf32, #tpu.memory_space<hbm>>)
        tpu.yield
      }) : () -> ()
    } else {
    }
    return
  }
}

module attributes {stable_mosaic.version = 14 : i64} {
  func.func @_combine_body(%arg0: i32, %arg1: memref<2048x128xf32, #tpu.memory_space<vmem>>, %arg2: memref<2048x128xf32, #tpu.memory_space<vmem>>, %arg3: memref<2048x128xf32, #tpu.memory_space<vmem>>, %arg4: memref<128x40xf32, #tpu.memory_space<vmem>>, %arg5: memref<1x40xf32, #tpu.memory_space<vmem>>, %arg6: memref<40x2048xf32, #tpu.memory_space<vmem>>) attributes {dimension_semantics = [#tpu.dimension_semantics<arbitrary>], iteration_bounds = array<i64: 5>, scalar_prefetch = 0 : i64, scratch_operands = 0 : i64, tpu.core_type = #tpu.core_type<tc>, window_params = [{transform_indices = @transform_0, window_bounds = array<i64: 2048, 128>}, {transform_indices = @transform_1, window_bounds = array<i64: 2048, 128>}, {transform_indices = @transform_2, window_bounds = array<i64: 2048, 128>}, {pipeline_mode = #tpu.pipeline_mode<synchronous>, transform_indices = @transform_3, window_bounds = array<i64: 128, 40>}, {pipeline_mode = #tpu.pipeline_mode<synchronous>, transform_indices = @transform_4, window_bounds = array<i64: 1, 40>}, {transform_indices = @transform_5, window_bounds = array<i64: 40, 2048>}]} {
    %get3A = arith.constant 0 : index
    %get3A_0 = arith.constant 0 : index
    %get3A_1 = vector.load %arg1[%get3A, %get3A_0] : memref<2048x128xf32, #tpu.memory_space<vmem>>, vector<2048x128xf32>
    %get3A_2 = arith.constant 0 : index
    %get3A_3 = arith.constant 0 : index
    %get3A_4 = vector.load %arg2[%get3A_2, %get3A_3] : memref<2048x128xf32, #tpu.memory_space<vmem>>, vector<2048x128xf32>
    %add3A = arith.addf %get3A_1, %get3A_4 : vector<2048x128xf32>
    %iota3A = tpu.iota {dimensions = array<i32: 1>} : vector<2048x128xi32>
    %eq3A = arith.constant 40 : i32
    %eq3A_5 = vector.broadcast %eq3A : i32 to vector<2048x128xi32>
    %eq3A_6 = arith.cmpi eq, %iota3A, %eq3A_5 : vector<2048x128xi32>
    %jit3A = arith.constant 0.000000e+00 : f32
    %broadcast_in_dim3A = vector.broadcast %jit3A : f32 to vector<2048x128xf32>
    %select_n3A = arith.select %eq3A_6, %add3A, %broadcast_in_dim3A : vector<2048x128xi1>, vector<2048x128xf32>
    %reduce_sum3A = arith.constant dense<0.000000e+00> : vector<2048xf32>
    %reduce_sum3A_7 = vector.multi_reduction <add>, %select_n3A, %reduce_sum3A [1] : vector<2048x128xf32> to vector<2048xf32>
    %broadcast_in_dim3A_8 = vector.shape_cast %reduce_sum3A_7 : vector<2048xf32> to vector<2048x1xf32>
    %max3A = arith.constant 1.000000e+00 : f32
    %max3A_9 = vector.broadcast %max3A : f32 to vector<2048x1xf32>
    %max3A_10 = arith.maximumf %broadcast_in_dim3A_8, %max3A_9 : vector<2048x1xf32>
    %div3A = vector.broadcast %max3A_10 : vector<2048x1xf32> to vector<2048x128xf32>
    %div3A_11 = arith.divf %add3A, %div3A : vector<2048x128xf32>
    %get3A_12 = arith.constant 0 : index
    %get3A_13 = arith.constant 0 : index
    %get3A_14 = vector.load %arg3[%get3A_12, %get3A_13] : memref<2048x128xf32, #tpu.memory_space<vmem>>, vector<2048x128xf32>
    %get3A_15 = arith.constant 0 : index
    %get3A_16 = arith.constant 0 : index
    %get3A_17 = vector.load %arg4[%get3A_15, %get3A_16] : memref<128x40xf32, #tpu.memory_space<vmem>>, vector<128x40xf32>
    %dot_general3A = arith.constant dense<0.000000e+00> : vector<2048x40xf32>
    %dot_general3A_18 = tpu.matmul %get3A_14, %get3A_17, %dot_general3A {dimension_numbers = #tpu.dot_dimension_numbers<[1], [0], [0], [1], [0, 0, 1, 1], [], []>, transpose_lhs_hint = false} : vector<2048x128xf32>, vector<128x40xf32>, vector<2048x40xf32> -> vector<2048x40xf32>
    %slice3A = vector.extract_strided_slice %div3A_11 {offsets = [0, 0], sizes = [2048, 40], strides = [1, 1]} : vector<2048x128xf32> to vector<2048x40xf32>
    %add3A_19 = arith.addf %slice3A, %dot_general3A_18 : vector<2048x40xf32>
    %get3A_20 = arith.constant 0 : index
    %get3A_21 = arith.constant 0 : index
    %get3A_22 = vector.load %arg5[%get3A_20, %get3A_21] : memref<1x40xf32, #tpu.memory_space<vmem>>, vector<1x40xf32>
    %add3A_23 = vector.broadcast %get3A_22 : vector<1x40xf32> to vector<2048x40xf32>
    %add3A_24 = arith.addf %add3A_19, %add3A_23 : vector<2048x40xf32>
    %max3A_25 = arith.constant 0.000000e+00 : f32
    %max3A_26 = vector.broadcast %max3A_25 : f32 to vector<2048x40xf32>
    %max3A_27 = arith.maximumf %add3A_24, %max3A_26 : vector<2048x40xf32>
    %transpose3A = tpu.transpose %max3A_27, [1, 0] : vector<2048x40xf32> -> vector<40x2048xf32>
    %swap3A = arith.constant 0 : index
    %swap3A_28 = arith.constant 0 : index
    %swap3A_29 = vector.load %arg6[%swap3A, %swap3A_28] : memref<40x2048xf32, #tpu.memory_space<vmem>>, vector<40x2048xf32>
    tpu.vector_store %arg6[%swap3A, %swap3A_28], %transpose3A {strides = array<i32>} : memref<40x2048xf32, #tpu.memory_space<vmem>>, vector<40x2048xf32>,
    return
  }
  func.func @transform_0(%arg0: i32) -> (i32, i32) {
    %c0_i32 = arith.constant 0 : i32
    %c0_i32_0 = arith.constant 0 : i32
    return %arg0, %c0_i32 : i32, i32
  }
  func.func @transform_1(%arg0: i32) -> (i32, i32) {
    %c0_i32 = arith.constant 0 : i32
    %c0_i32_0 = arith.constant 0 : i32
    return %arg0, %c0_i32 : i32, i32
  }
  func.func @transform_2(%arg0: i32) -> (i32, i32) {
    %c0_i32 = arith.constant 0 : i32
    %c0_i32_0 = arith.constant 0 : i32
    return %arg0, %c0_i32 : i32, i32
  }
  func.func @transform_3(%arg0: i32) -> (i32, i32) {
    %c0_i32 = arith.constant 0 : i32
    %c0_i32_0 = arith.constant 0 : i32
    %c0_i32_1 = arith.constant 0 : i32
    return %c0_i32, %c0_i32_0 : i32, i32
  }
  func.func @transform_4(%arg0: i32) -> (i32, i32) {
    %c0_i32 = arith.constant 0 : i32
    %c0_i32_0 = arith.constant 0 : i32
    %c0_i32_1 = arith.constant 0 : i32
    return %c0_i32, %c0_i32_0 : i32, i32
  }
  func.func @transform_5(%arg0: i32) -> (i32, i32) {
    %c0_i32 = arith.constant 0 : i32
    %c0_i32_0 = arith.constant 0 : i32
    return %c0_i32, %arg0 : i32, i32
  }
}

module attributes {stable_mosaic.version = 14 : i64} {
  func.func @_proj_body(%arg0: i32, %arg1: memref<2048x128xf32, #tpu.memory_space<vmem>>, %arg2: memref<128x48xf32, #tpu.memory_space<vmem>>, %arg3: memref<768x128xf32, #tpu.memory_space<vmem>>) attributes {dimension_semantics = [#tpu.dimension_semantics<arbitrary>], iteration_bounds = array<i64: 5>, scalar_prefetch = 0 : i64, scratch_operands = 0 : i64, tpu.core_type = #tpu.core_type<tc>, window_params = [{transform_indices = @transform_0, window_bounds = array<i64: 2048, 128>}, {pipeline_mode = #tpu.pipeline_mode<synchronous>, transform_indices = @transform_1, window_bounds = array<i64: 128, 48>}, {transform_indices = @transform_2, window_bounds = array<i64: 768, 128>}]} {
    %get3A = arith.constant 0 : index
    %get3A_0 = arith.constant 0 : index
    %get3A_1 = vector.load %arg1[%get3A, %get3A_0] : memref<2048x128xf32, #tpu.memory_space<vmem>>, vector<2048x128xf32>
    %get3A_2 = arith.constant 0 : index
    %get3A_3 = arith.constant 0 : index
    %get3A_4 = vector.load %arg2[%get3A_2, %get3A_3] : memref<128x48xf32, #tpu.memory_space<vmem>>, vector<128x48xf32>
    %dot_general3A = arith.constant dense<0.000000e+00> : vector<2048x48xf32>
    %dot_general3A_5 = tpu.matmul %get3A_1, %get3A_4, %dot_general3A {dimension_numbers = #tpu.dot_dimension_numbers<[1], [0], [0], [1], [0, 0, 1, 1], [], []>, transpose_lhs_hint = false} : vector<2048x128xf32>, vector<128x48xf32>, vector<2048x48xf32> -> vector<2048x48xf32>
    %iota3A = tpu.iota {dimensions = array<i32: 1>} : vector<2048x48xi32>
    %eq3A = arith.constant 40 : i32
    %eq3A_6 = vector.broadcast %eq3A : i32 to vector<2048x48xi32>
    %eq3A_7 = arith.cmpi eq, %iota3A, %eq3A_6 : vector<2048x48xi32>
    %jit3A = arith.constant 1.000000e+00 : f32
    %jit3A_8 = arith.constant 0.000000e+00 : f32
    %broadcast_in_dim3A = vector.broadcast %jit3A : f32 to vector<2048x48xf32>
    %broadcast_in_dim3A_9 = vector.broadcast %jit3A_8 : f32 to vector<2048x48xf32>
    %select_n3A = arith.select %eq3A_7, %broadcast_in_dim3A, %broadcast_in_dim3A_9 : vector<2048x48xi1>, vector<2048x48xf32>
    %add3A = arith.addf %dot_general3A_5, %select_n3A : vector<2048x48xf32>
    %reshape3A = vector.shape_cast %add3A : vector<2048x48xf32> to vector<256x8x48xf32>
    %slice3A = vector.extract_strided_slice %reshape3A {offsets = [0, 0, 0], sizes = [256, 1, 48], strides = [1, 1, 1]} : vector<256x8x48xf32> to vector<256x1x48xf32>
    %squeeze3A = vector.shape_cast %slice3A : vector<256x1x48xf32> to vector<256x48xf32>
    %jit3A_10 = arith.constant 0 : i32
    %convert_element_type3A = arith.sitofp %jit3A_10 : i32 to f32
    %pad3A = vector.broadcast %convert_element_type3A : f32 to vector<256x80xf32>
    %pad3A_11 = tpu.concatenate %squeeze3A, %pad3A in 1 : vector<256x48xf32>, vector<256x80xf32> -> vector<256x128xf32>
    %slice3A_12 = vector.extract_strided_slice %reshape3A {offsets = [0, 1, 0], sizes = [256, 1, 48], strides = [1, 1, 1]} : vector<256x8x48xf32> to vector<256x1x48xf32>
    %squeeze3A_13 = vector.shape_cast %slice3A_12 : vector<256x1x48xf32> to vector<256x48xf32>
    %jit3A_14 = arith.constant 0 : i32
    %convert_element_type3A_15 = arith.sitofp %jit3A_14 : i32 to f32
    %pad3A_16 = vector.broadcast %convert_element_type3A_15 : f32 to vector<256x48xf32>
    %pad3A_17 = tpu.concatenate %pad3A_16, %squeeze3A_13 in 1 : vector<256x48xf32>, vector<256x48xf32> -> vector<256x96xf32>
    %pad3A_18 = vector.broadcast %convert_element_type3A_15 : f32 to vector<256x32xf32>
    %pad3A_19 = tpu.concatenate %pad3A_17, %pad3A_18 in 1 : vector<256x96xf32>, vector<256x32xf32> -> vector<256x128xf32>
    %add3A_20 = arith.addf %pad3A_11, %pad3A_19 : vector<256x128xf32>
    %slice3A_21 = vector.extract_strided_slice %reshape3A {offsets = [0, 2, 0], sizes = [256, 1, 32], strides = [1, 1, 1]} : vector<256x8x48xf32> to vector<256x1x32xf32>
    %squeeze3A_22 = vector.shape_cast %slice3A_21 : vector<256x1x32xf32> to vector<256x32xf32>
    %jit3A_23 = arith.constant 0 : i32
    %convert_element_type3A_24 = arith.sitofp %jit3A_23 : i32 to f32
    %pad3A_25 = vector.broadcast %convert_element_type3A_24 : f32 to vector<256x96xf32>
    %pad3A_26 = tpu.concatenate %pad3A_25, %squeeze3A_22 in 1 : vector<256x96xf32>, vector<256x32xf32> -> vector<256x128xf32>
    %add3A_27 = arith.addf %add3A_20, %pad3A_26 : vector<256x128xf32>
    %slice3A_28 = vector.extract_strided_slice %reshape3A {offsets = [0, 2, 32], sizes = [256, 1, 16], strides = [1, 1, 1]} : vector<256x8x48xf32> to vector<256x1x16xf32>
    %squeeze3A_29 = vector.shape_cast %slice3A_28 : vector<256x1x16xf32> to vector<256x16xf32>
    %jit3A_30 = arith.constant 0 : i32
    %convert_element_type3A_31 = arith.sitofp %jit3A_30 : i32 to f32
    %pad3A_32 = vector.broadcast %convert_element_type3A_31 : f32 to vector<256x112xf32>
    %pad3A_33 = tpu.concatenate %squeeze3A_29, %pad3A_32 in 1 : vector<256x16xf32>, vector<256x112xf32> -> vector<256x128xf32>
    %slice3A_34 = vector.extract_strided_slice %reshape3A {offsets = [0, 3, 0], sizes = [256, 1, 48], strides = [1, 1, 1]} : vector<256x8x48xf32> to vector<256x1x48xf32>
    %squeeze3A_35 = vector.shape_cast %slice3A_34 : vector<256x1x48xf32> to vector<256x48xf32>
    %jit3A_36 = arith.constant 0 : i32
    %convert_element_type3A_37 = arith.sitofp %jit3A_36 : i32 to f32
    %pad3A_38 = vector.broadcast %convert_element_type3A_37 : f32 to vector<256x16xf32>
    %pad3A_39 = tpu.concatenate %pad3A_38, %squeeze3A_35 in 1 : vector<256x16xf32>, vector<256x48xf32> -> vector<256x64xf32>
    %pad3A_40 = vector.broadcast %convert_element_type3A_37 : f32 to vector<256x64xf32>
    %pad3A_41 = tpu.concatenate %pad3A_39, %pad3A_40 in 1 : vector<256x64xf32>, vector<256x64xf32> -> vector<256x128xf32>
    %add3A_42 = arith.addf %pad3A_33, %pad3A_41 : vector<256x128xf32>
    %slice3A_43 = vector.extract_strided_slice %reshape3A {offsets = [0, 4, 0], sizes = [256, 1, 48], strides = [1, 1, 1]} : vector<256x8x48xf32> to vector<256x1x48xf32>
    %squeeze3A_44 = vector.shape_cast %slice3A_43 : vector<256x1x48xf32> to vector<256x48xf32>
    %jit3A_45 = arith.constant 0 : i32
    %convert_element_type3A_46 = arith.sitofp %jit3A_45 : i32 to f32
    %pad3A_47 = vector.broadcast %convert_element_type3A_46 : f32 to vector<256x64xf32>
    %pad3A_48 = tpu.concatenate %pad3A_47, %squeeze3A_44 in 1 : vector<256x64xf32>, vector<256x48xf32> -> vector<256x112xf32>
    %pad3A_49 = vector.broadcast %convert_element_type3A_46 : f32 to vector<256x16xf32>
    %pad3A_50 = tpu.concatenate %pad3A_48, %pad3A_49 in 1 : vector<256x112xf32>, vector<256x16xf32> -> vector<256x128xf32>
    %add3A_51 = arith.addf %add3A_42, %pad3A_50 : vector<256x128xf32>
    %slice3A_52 = vector.extract_strided_slice %reshape3A {offsets = [0, 5, 0], sizes = [256, 1, 16], strides = [1, 1, 1]} : vector<256x8x48xf32> to vector<256x1x16xf32>
    %squeeze3A_53 = vector.shape_cast %slice3A_52 : vector<256x1x16xf32> to vector<256x16xf32>
    %jit3A_54 = arith.constant 0 : i32
    %convert_element_type3A_55 = arith.sitofp %jit3A_54 : i32 to f32
    %pad3A_56 = vector.broadcast %convert_element_type3A_55 : f32 to vector<256x112xf32>
    %pad3A_57 = tpu.concatenate %pad3A_56, %squeeze3A_53 in 1 : vector<256x112xf32>, vector<256x16xf32> -> vector<256x128xf32>
    %add3A_58 = arith.addf %add3A_51, %pad3A_57 : vector<256x128xf32>
    %slice3A_59 = vector.extract_strided_slice %reshape3A {offsets = [0, 5, 16], sizes = [256, 1, 32], strides = [1, 1, 1]} : vector<256x8x48xf32> to vector<256x1x32xf32>
    %squeeze3A_60 = vector.shape_cast %slice3A_59 : vector<256x1x32xf32> to vector<256x32xf32>
    %jit3A_61 = arith.constant 0 : i32
    %convert_element_type3A_62 = arith.sitofp %jit3A_61 : i32 to f32
    %pad3A_63 = vector.broadcast %convert_element_type3A_62 : f32 to vector<256x96xf32>
    %pad3A_64 = tpu.concatenate %squeeze3A_60, %pad3A_63 in 1 : vector<256x32xf32>, vector<256x96xf32> -> vector<256x128xf32>
    %slice3A_65 = vector.extract_strided_slice %reshape3A {offsets = [0, 6, 0], sizes = [256, 1, 48], strides = [1, 1, 1]} : vector<256x8x48xf32> to vector<256x1x48xf32>
    %squeeze3A_66 = vector.shape_cast %slice3A_65 : vector<256x1x48xf32> to vector<256x48xf32>
    %jit3A_67 = arith.constant 0 : i32
    %convert_element_type3A_68 = arith.sitofp %jit3A_67 : i32 to f32
    %pad3A_69 = vector.broadcast %convert_element_type3A_68 : f32 to vector<256x32xf32>
    %pad3A_70 = tpu.concatenate %pad3A_69, %squeeze3A_66 in 1 : vector<256x32xf32>, vector<256x48xf32> -> vector<256x80xf32>
    %pad3A_71 = vector.broadcast %convert_element_type3A_68 : f32 to vector<256x48xf32>
    %pad3A_72 = tpu.concatenate %pad3A_70, %pad3A_71 in 1 : vector<256x80xf32>, vector<256x48xf32> -> vector<256x128xf32>
    %add3A_73 = arith.addf %pad3A_64, %pad3A_72 : vector<256x128xf32>
    %slice3A_74 = vector.extract_strided_slice %reshape3A {offsets = [0, 7, 0], sizes = [256, 1, 48], strides = [1, 1, 1]} : vector<256x8x48xf32> to vector<256x1x48xf32>
    %squeeze3A_75 = vector.shape_cast %slice3A_74 : vector<256x1x48xf32> to vector<256x48xf32>
    %jit3A_76 = arith.constant 0 : i32
    %convert_element_type3A_77 = arith.sitofp %jit3A_76 : i32 to f32
    %pad3A_78 = vector.broadcast %convert_element_type3A_77 : f32 to vector<256x80xf32>
    %pad3A_79 = tpu.concatenate %pad3A_78, %squeeze3A_75 in 1 : vector<256x80xf32>, vector<256x48xf32> -> vector<256x128xf32>
    %add3A_80 = arith.addf %add3A_73, %pad3A_79 : vector<256x128xf32>
    %stack3A = vector.shape_cast %add3A_27 : vector<256x128xf32> to vector<256x1x128xf32>
    %stack3A_81 = vector.shape_cast %add3A_58 : vector<256x128xf32> to vector<256x1x128xf32>
    %stack3A_82 = vector.shape_cast %add3A_80 : vector<256x128xf32> to vector<256x1x128xf32>
    %stack3A_83 = tpu.concatenate %stack3A, %stack3A_81, %stack3A_82 in 1 : vector<256x1x128xf32>, vector<256x1x128xf32>, vector<256x1x128xf32> -> vector<256x3x128xf32>
    %reshape3A_84 = vector.shape_cast %stack3A_83 : vector<256x3x128xf32> to vector<768x128xf32>
    %swap3A = arith.constant 0 : index
    %swap3A_85 = arith.constant 0 : index
    %swap3A_86 = vector.load %arg3[%swap3A, %swap3A_85] : memref<768x128xf32, #tpu.memory_space<vmem>>, vector<768x128xf32>
    tpu.vector_store %arg3[%swap3A, %swap3A_85], %reshape3A_84 {strides = array<i32>} : memref<768x128xf32, #tpu.memory_space<vmem>>, vector<768x128xf32>,
    return
  }
  func.func @transform_0(%arg0: i32) -> (i32, i32) {
    %c0_i32 = arith.constant 0 : i32
    %c0_i32_0 = arith.constant 0 : i32
    return %arg0, %c0_i32 : i32, i32
  }
  func.func @transform_1(%arg0: i32) -> (i32, i32) {
    %c0_i32 = arith.constant 0 : i32
    %c0_i32_0 = arith.constant 0 : i32
    %c0_i32_1 = arith.constant 0 : i32
    return %c0_i32, %c0_i32_0 : i32, i32
  }
  func.func @transform_2(%arg0: i32) -> (i32, i32) {
    %c0_i32 = arith.constant 0 : i32
    %c0_i32_0 = arith.constant 0 : i32
    return %arg0, %c0_i32 : i32, i32
  }
}

</mosaic_0001>

<sc_bundles>
// kernel: kernel.5.cloned.1.call-start
scs
__scs_entry_jumppad:
0x0: {  	(pc) =	sbr.rel $0x88, $3  }
0x1: {  	(tag) =	ssettag $0x0;
	lr =	simm.s32 $0x1  }
0x2: {  	[smem:$0x3F9C] =	sst lr;
	_ =	strace $0xD0000000  }
0x3: {  	_ = 	snop  }
0x4: {  	_ = 	snop  }
0x5: {  	_ = 	snop  }
0x6: {  	_ = 	snop  }
0x7: {  	_ = 	snop  }
__scs_overlays_trampoline_lowered:
0x8: {  	[smem:$0x3FAB] =	sst s0  }
0x9: {  	[smem:$0x3FAC] =	sst s1  }
0xa: {  	[smem:$0x3FAD] =	sst s2  }
0xb: {  	[smem:$0x3FAE] =	sst s3  }
0xc: {  	[smem:$0x3FAF] =	sst s4  }
0xd: {  	[smem:$0x3FB0] =	sst s5  }
0xe: {  	[smem:$0x3FB1] =	sst s6  }
0xf: {  	[smem:$0x3FB2] =	sst s7  }
0x10: {  	[smem:$0x3FB3] =	sst s8  }
0x11: {  	[smem:$0x3FB4] =	sst s9;
	s0 =	simm.s32 @!p0 $0x0  }
0x12: {  	s1 =	sld [smem:$0x3F9A];
	s0 =	simm.s32 @p0 $0x1  }
0x13: {  	[smem:$0x3FB5] =	sst s0;
	s0 =	simm.s32 @!p1 $0x0  }
0x14: {  	s2 =	sld [smem:$0x3F99];
	s0 =	simm.s32 @p1 $0x1  }
0x15: {  	[smem:$0x3FB6] =	sst s0;
	s0 =	simm.s32 @!p2 $0x0  }
0x16: {  	s3 =	sld [smem:$0x3FDB];
	s0 =	simm.s32 @p2 $0x1  }
0x17: {  	s4 =	simm.s32 $0x1BF5;
	[smem:$0x3FB8] =	sst s0  }
0x18: {  	s0 =	sld [smem:$0x3F9B];
	_ =	swait.ge [sflag:s4], $0x0  }
0x19: {  	s7 =	sld [smem:$0x3F9C]  }
0x1a: {  	s8 =	sadd.s32 $0xFFFFE003, lr  }
0x1b: {  	s9 =	sadd.s32 $0xFFFFFEF7, lr;
	s5 =	simm.s32 $0xFFFFFFFF;
	p2 =	slt.u32 s8, $0xFFFFF086  }
0x1c: {  	p1 =	slt.u32 s9, $0xF7A;
	s5 =	simm.s32 @!p2 $0x0  }
0x1d: {  	s5 =	simm.s32 @p1 $0x1;
	p0 =	seq.s32 s7, s2  }
0x1e: {  	s7 =	smul.u32 @!p0 $0xF7A, s2;
	p2 =	seq.s32 @!p0 s5, $0x0  }
0x1f: {  	s9 =	smul.u32 $0xF7A, s1;
	s8 =	simm.s32 @!p0 $0x1BF5;
	p2 =	por !p2, p0  }
0x20: {  	[sflag:s8] =	ssyncset.s32 @!p0 $0xFFFFF086;
	s6 =	sadd.s32 @!p0 s3, s7;
	s7 =	simm.s32 @!p0 $0x108  }
0x21: {  	s3 =	sadd.s32 s3, s9;
	s6 =	sadd.s32 @!p0 $0x88, s6;
	s7 =	simm.s32 @p2 $0x1082  }
0x22: {  	[simem:s7], [sflag:s8] =	dma.local @!p0 [hbm:s6], $0xF7A  }
0x23: {  	s9 =	sor.u32 $0xD0000000, s2;
	s6 =	simm.s32 $0x108;
	_ =	swait.ge @!p0 [sflag:s8], $0x0  }
0x24: {  	s3 =	sadd.s32 $0x88, s3;
	s6 =	simm.s32 @!p1 $0x1082;
	[sflag:s4] =	ssyncset.s32 $0xFFFFF086  }
0x25: {  	[simem:s6], [sflag:s4] =	dma.local [hbm:s3], $0xF7A  }
0x26: {  	[smem:$0x3F9C] =	sst s1;
	(tag) =	ssettag s2;
	_ =	strace s9  }
0x27: {  	s1 =	sld [smem:$0x3FAC]  }
0x28: {  	s2 =	sld [smem:$0x3FAD]  }
0x29: {  	s4 =	sld [smem:$0x3FAF]  }
0x2a: {  	p0 =	seq.s32 s5, $0x0;
	s5 =	sld [smem:$0x3FB0]  }
0x2b: {  	s6 =	sld [smem:$0x3FB1]  }
0x2c: {  	s7 =	sld [smem:$0x3FB2]  }
0x2d: {  	s3 =	simm.s32 $0x108;
	s8 =	sld [smem:$0x3FB3]  }
0x2e: {  	s3 =	simm.s32 @!p0 $0x1082;
	s9 =	sld [smem:$0x3FB4]  }
0x2f: {  	lr =	sadd.s32 s0, s3;
	s0 =	sld [smem:$0x3FAB]  }
0x30: {  	s3 =	sld [smem:$0x3FAE]  }
0x31: {  	[smem:$0x3FB7] =	sst s10  }
0x32: {  	s10 =	sld [smem:$0x3FB5];
	_ =	sdelay $0x3  }
0x33: {  	p0 =	seq.s32 s10, $0x1;
	s10 =	sld [smem:$0x3FB7];
	_ =	sdelay $0x3  }
0x34: {  	[smem:$0x3FB7] =	sst s10  }
0x35: {  	s10 =	sld [smem:$0x3FB6];
	_ =	sdelay $0x3  }
0x36: {  	p1 =	seq.s32 s10, $0x1;
	s10 =	sld [smem:$0x3FB7];
	_ =	sdelay $0x3  }
0x37: {  	[smem:$0x3FB7] =	sst s10  }
0x38: {  	s10 =	sld [smem:$0x3FB8]  }
0x39: {  	_ = 	snop;
	(pc) =	sbr.ind lr, $3  }
0x3a: {  	_ = 	snop  }
0x3b: {  	_ = 	snop  }
0x3c: {  	p2 =	seq.s32 s10, $0x1;
	s10 =	sld [smem:$0x3FB7]  }
0x3d: {  	_ =	shalt  }
0x3e: {  	_ =	shalt  }
0x3f: {  	_ =	shalt  }
0x40: {  	_ =	shalt  }
0x41: {  	_ =	shalt  }
0x42: {  	_ =	shalt  }
0x43: {  	_ =	shalt  }
0x44: {  	_ =	shalt  }
0x45: {  	_ =	shalt  }
0x46: {  	_ =	shalt  }
0x47: {  	_ =	shalt  }
0x48: {  	_ =	shalt  }
0x49: {  	_ =	shalt  }
0x4a: {  	_ =	shalt  }
0x4b: {  	_ =	shalt  }
0x4c: {  	_ =	shalt  }
0x4d: {  	_ =	shalt  }
0x4e: {  	_ =	shalt  }
0x4f: {  	_ =	shalt  }
0x50: {  	_ =	shalt  }
0x51: {  	_ =	shalt  }
0x52: {  	_ =	shalt  }
0x53: {  	_ =	shalt  }
0x54: {  	_ =	shalt  }
0x55: {  	_ =	shalt  }
0x56: {  	_ =	shalt  }
0x57: {  	_ =	shalt  }
0x58: {  	_ =	shalt  }
0x59: {  	_ =	shalt  }
0x5a: {  	_ =	shalt  }
0x5b: {  	_ =	shalt  }
0x5c: {  	_ =	shalt  }
0x5d: {  	_ =	shalt  }
0x5e: {  	_ =	shalt  }
0x5f: {  	_ =	shalt  }
0x60: {  	_ =	shalt  }
0x61: {  	_ =	shalt  }
0x62: {  	_ =	shalt  }
0x63: {  	_ =	shalt  }
0x64: {  	_ =	shalt  }
0x65: {  	_ =	shalt  }
0x66: {  	_ =	shalt  }
0x67: {  	_ =	shalt  }
0x68: {  	_ =	shalt  }
0x69: {  	_ =	shalt  }
0x6a: {  	_ =	shalt  }
0x6b: {  	_ =	shalt  }
0x6c: {  	_ =	shalt  }
0x6d: {  	_ =	shalt  }
0x6e: {  	_ =	shalt  }
0x6f: {  	_ =	shalt  }
0x70: {  	_ =	shalt  }
0x71: {  	_ =	shalt  }
0x72: {  	_ =	shalt  }
0x73: {  	_ =	shalt  }
0x74: {  	_ =	shalt  }
0x75: {  	_ =	shalt  }
0x76: {  	_ =	shalt  }
0x77: {  	_ =	shalt  }
0x78: {  	_ =	shalt  }
0x79: {  	_ =	shalt  }
0x7a: {  	_ =	shalt  }
0x7b: {  	_ =	shalt  }
0x7c: {  	_ =	shalt  }
0x7d: {  	_ =	shalt  }
0x7e: {  	_ =	shalt  }
0x7f: {  	_ =	shalt  }
0x80: {  	_ =	shalt  }
0x81: {  	_ =	shalt  }
0x82: {  	_ =	shalt  }
0x83: {  	_ =	shalt  }
0x84: {  	_ =	shalt  }
0x85: {  	_ =	shalt  }
0x86: {  	_ =	shalt  }
0x87: {  	_ =	shalt  }
.Lfunc_end0:
.L_simem_size_0:
called_computation_lowered:
.L_overlay_start_0:
0x88: {  	s2 =	sld [smem:$0x3FD9]  }
0x89: {  	s3 =	sld [smem:$0x3FFE];
	_ =	sdelay $0x1  }
0x8a: {  	s1 =	srdreg.scid  }
0x8b: {  	s0 =	sand.u32 $0x1, s1  }
0x8c: {  	s17 =	sshll.u32 s0, $0xA;
	s2 =	sadd.s32 s3, s2  }
0x8d: {  	s2 =	sadd.s32 s2, s17  }
0x8e: {  	[smem:$0x3FC3] =	sst s2  }
0x8f: {  	_ = 	snop  }
0x90: {  	s2 =	sld [smem:$0x3FD0];
	(tm) =	ssettm $0x1  }
0x91: {  	s18 =	sld [smem:$0x3FFB];
	_ =	sdelay $0x3  }
0x92: {  	_ =	strace s18  }
0x93: {  	s3 =	sld [smem:$0x3FFC];
	_ =	sdelay $0x3  }
0x94: {  	_ =	strace s3  }
0x95: {  	s3 =	sld [smem:$0x3FFD];
	_ =	sdelay $0x3  }
0x96: {  	_ =	strace s3  }
0x97: {  	_ =	strace $0x8FFFFFFF  }
0x98: {  	s19 =	sld [smem:$0x3FDB];
	_ =	sdelay $0x1  }
0x99: {  	s4 =	simm.s32 $_scs_section_size  }
0x9a: {  	s5 =	simm.s32 $_size__tile_overlayer_lowered;
	s6 =	simm.s32 $_tile_overlayer_lowered  }
0x9b: {  	s22 =	simm.s32 $0x1BFF;
	s21 =	sshll.u32 s6, $0x1;
	s3 =	sadd.s32 s4, s19  }
0x9c: {  	s7 =	simm.s32 $0x0;
	s20 =	sshll.u32 s5, $0x1;
	s5 =	sadd.s32 s21, s3  }
0x9d: {  	[timem:s7], [sflag:s22] =	dma.local [hbm:s5], s20  }
0x9e: {  	_ =	swait.ge [sflag:s22], s20  }
0x9f: {  	s4 =	ssub.s32 $0x0, s20;
	[sflag:s22] =	ssyncset.done $0x0  }
0xa0: {  	[sflag:s22] =	ssyncadd.s32 s4;
	_ =	sdelay $0x1  }
0xa1: {  	s23 =	simm.s32 $0x1B8B  }
0xa2: {  	_ =	swait.ge [sflag:s23], $0x1  }
0xa3: {  	[sflag:s23] =	ssyncset.done $0x0  }
0xa4: {  	s25 =	simm.s32 $0x1B8E;
	s24 =	sld [smem:$0x3FFE];
	[sflag:s23] =	ssyncadd.s32 $0xFFFFFFFF  }
0xa5: {  	s26 =	simm.s32 $execute0_lowered;
	[smem:$0x3FD2] =	sst s25  }
0xa6: {  	s5 =	sshll.u32 s26, $0x1;
	_ =	strace $0x80000046;
	[dreg:$0x1] =	wrdreg $0xFFFFFFFF  }
0xa7: {  	s28 =	simm.s32 $_size_execute0_lowered;
	s3 =	sadd.s32 s3, s5;
	[dreg:$0x0] =	wrdreg $0x0  }
0xa8: {  	s5 =	sshll.u32 s28, $0x1;
	[dreg:$0x2] =	wrdreg s3  }
0xa9: {  	[dreg:$0x3] =	wrdreg s5  }
0xaa: {  	[dreg:$0x4] =	wrdreg $0xC0  }
0xab: {  	_ =	task [dreg:s7], $0x5FFFF  }
0xac: {  	[dreg:$0x1] =	wrdreg $0xFFFFFFFF  }
0xad: {  	[dreg:$0x0] =	wrdreg $0x60  }
0xae: {  	[dreg:$0x2] =	wrdreg s24  }
0xaf: {  	[dreg:$0x3] =	wrdreg s2  }
0xb0: {  	[dreg:$0x4] =	wrdreg $0x138200  }
0xb1: {  	[dreg:$0x5] =	wrdreg $0x9  }
0xb2: {  	_ =	task.clear_ibuf [dreg:s7], $0x6FFFF;
	_ =	strace $0x90000046  }
0xb3: {  	s29 =	simm.s32 $0x9;
	_ =	strace $0x80000048  }
0xb4: {  	_ =	swait.ge [sflag:s29], $0x1  }
0xb5: {  	[sflag:s29] =	ssyncadd.s32 $0xFFFFFFFF  }
0xb6: {  	_ =	strace $0x90000048  }
0xb7: {  	_ =	sfence  }
0xb8: {  	s30 =	sld [smem:$0x0];
	_ =	sdelay $0x2  }
0xb9: {  	s31 =	sshll.u32 s1, $0xD;
	s1 =	sshrl.u32 s1, $0x2  }
0xba: {  	s3 =	sand.u32 $0x4000, s31;
	s1 =	sadd.s32 s1, s30  }
0xbb: {  	s0 =	sor.u32 s3, s0;
	s1 =	sshll.u32 s1, $0x11  }
0xbc: {  	s0 =	sor.u32 s1, s0  }
0xbd: {  	s0 =	sadd.s32 $0x8F2B, s0  }
0xbe: {  	[sflag:s0] =	ssyncadd.remote.s32 $0x1  }
0xbf: {  	_ =	sfence.sel $0xFFFF  }
0xc0: {  	[dreg:$0x0] =	wrdreg $0xFFFFFFFF;
	(pc) =	sbr.abs _section_cstart, $3  }
0xc1: {  	[dreg:$0x1] =	wrdreg $0xFFFFFFFF  }
0xc2: {  	_ =	task.clear_ibuf [dreg:s7], $0x2FFFF;
	_ =	strace $0x9FFFFFFF  }
0xc3: {  	(tm) =	ssettm $0x7FFFFFFF  }
tec
execute0_lowered:
.L_overlay_start_1:
0x0: {  	(tag) =	ssettag $0x1  }
0x1: {  	s1 =	rddreg [dreg:$0x0]  }
0x2: {  	s2 =	rddreg [dreg:$0x1]  }
0x3: {  	s0 =	srdreg.scid;
	s3 =	rddreg [dreg:$0x2]  }
0x4: {  	s18 =	simm.s32 $0x3;
	s19 =	simm.s32 $0x2710;
	s20 =	simm.s32 $0x270  }
0x5: {  	s21 =	simm.s32 $0x4E20;
	s22 =	simm.s32 $0xC320;
	s23 =	simm.s32 $0x1  }
0x6: {  	s25 =	simm.s32 $0x2;
	s24 =	simm.s32 $0x2700;
	s26 =	simm.s32 $0x4E10  }
0x7: {  	s6 =	sand.u32 $0x1, s0;
	s0 =	stileid.u32;
	s12 =	sadd.s32 $0x23A00, s1  }
0x8: {  	s13 =	sadd.s32 $0x4AC00, s1;
	s15 =	sadd.s32 $0x6DB00, s3;
	s4 =	sshll.u32 s6, $0x4  }
0x9: {  	s8 =	ssub.s32 $0x2, s6;
	s9 =	smul.u32 $0x1D400, s0;
	p0 =	seq.s32 s0, $0xF  }
0xa: {  	p3 =	sne.s32 s0, $0xF;
	p4 =	seq.s32 s6, $0x0;
	s31 =	smul.u32 $0x2700, s0  }
0xb: {  	p1 =	seq.s32 s6, $0x1;
	s6 =	simm.s32 $0x4930;
	s5 =	sor.u32 s0, s4  }
0xc: {  	s4 =	simm.s32 $0x0;
	s29 =	sshrl.u32 s8, $0x1;
	p2 =	por !p4, !p3  }
0xd: {  	p4 =	por !p4, !p0;
	p5 =	por !p3, !p1;
	s7 =	smul.u32 $0x2710, s5  }
0xe: {  	[smem:$0x7FF] =	sst s4;
	s5 =	sadd.s32 $0x14E00, s1;
	s30 =	sshrl.u32 s9, $0x2  }
0xf: {  	p2 =	por !p2, !p2;
	p3 =	por !p4, !p4;
	p6 =	por !p5, !p5  }
0x10: {  	_ =	strace $0x80000047;
	s9 =	sadd.s32 s30, s3;
	[dreg:$0x4] =	wrdreg s12  }
0x11: {  	s12 =	sadd.s32 s12, s31;
	[dreg:$0x5] =	wrdreg s13;
	s13 =	sadd.s32 s13, s31  }
.Ltmp0:
0x12: {  	[dreg:$0x6] =	wrdreg s15;
	s15 =	sshrl.u32 @p0 s15, $0x3;
	(pc) =	sbr.rel .LBB2_1-.Ltmp0, $4  }
0x13: {  	p4 =	por !p6, p3;
	s7 =	sshrl.u32 s7, $0x3;
	s17 =	sshrl.u32 @!p0 s9, $0x3  }
0x14: {  	s7 =	sadd.s32 s7, s1;
	s1 =	ssub.s32 s8, s29;
	s8 =	simm.s32 $0x10  }
0x15: {  	s10 =	sadd.s32 $0x1400, s7;
	s14 =	smax.u32 s1, $0x1;
	s1 =	sshll.u32 @!p0 s0, $0x6  }
0x16: {  	s11 =	sadd.s32 $0xB040, s7;
	s7 =	simm.s32 $0x4BA0;
	s16 =	sor.u32 @!p0 $0x1C03, s1  }
.LBB2_3:
0x17: {  	s14 =	sadd.s32 $0xFFFFFFFF, s14  }
0x18: {  	p5 =	sne.s32 s14, $0x0  }
.Ltmp1:
0x19: {  	_ = 	snop;
	(pc) =	sbr.rel @!p5 .LBB2_4-.Ltmp1, $1  }
0x1a: {  	_ =	sdelay $0x3  }
.LBB2_1:
0x1b: {  	s28 =	simm.s32 @p0 $0x1FC3  }
0x1c: {  	[spmem:s15], [sflag:s28] =	dma.local @p0 [hbm:s2], $0xF00  }
0x1d: {  	s28 =	simm.s32 @p0 $0x3  }
0x1e: {  	_ =	swait.ge @p0 [sflag:s28], $0xF00  }
0x1f: {  	[sflag:s28] =	ssyncset.done @p0 $0x0  }
0x20: {  	[sflag:s28] =	ssyncadd.s32 @p0 $0xFFFFF100;
	s28 =	simm.s32 @!p0 $0x3  }
0x21: {  	[spmem:s17], [sflag:s16] =	dma.local @!p0 [hbm:s2], $0xEA0  }
0x22: {  	_ =	swait.ge @!p0 [sflag:s28], $0xEA0  }
0x23: {  	[sflag:s28] =	ssyncset.done @!p0 $0x0  }
0x24: {  	[sflag:s28] =	ssyncadd.s32 @!p0 $0xFFFFF160  }
0x25: {  	[tilespmem:s4], [sflag:$0x3] =	stream.linear.gather [hbm4b:s10+s4], $0x2710, $0x38;
	[tilespmem:$0x1AD50] =	vst v63  }
0x26: {  	_ =	swait.ge [sflag:s18], $0x2710  }
0x27: {  	[sflag:s18] =	ssyncset.done $0x0  }
0x28: {  	[sflag:s18] =	ssyncadd.s32 $0xFFFFD8F0  }
0x29: {  	[tilespmem:s19], [sflag:$0x3] =	stream.linear.gather [hbm4b:s11+s4], $0x2710, $0x38;
	[tilespmem:$0x1AD50] =	vst v63  }
0x2a: {  	_ =	swait.ge [sflag:s18], $0x2710  }
0x2b: {  	[sflag:s18] =	ssyncset.done $0x0  }
0x2c: {  	[sflag:s18] =	ssyncadd.s32 $0xFFFFD8F0  }
0x2d: {  	[bflag:$0x0] =	sbarrier.arrive $0xFFFF  }
0x2e: {  	[tilespmem:s21], [sflag:$0x1] =	stream.indirect.gather [hbm4b:s5+s20], $0x30, s4, s20, $0xb8;
	[tilespmem:$0x1AD50] =	vst v63  }
0x2f: {  	_ = 	snop  }
0x30: {  	[tilespmem:s22], [sflag:$0x2] =	stream.indirect.gather [hbm4b:s5+s20], $0x30, s20, s20, $0xb8;
	[tilespmem:$0x1AD50] =	vst v63  }
0x31: {  	_ =	swait.ge [sflag:s23], $0x7500  }
0x32: {  	[sflag:s23] =	ssyncset.done $0x0  }
0x33: {  	[sflag:s23] =	ssyncadd.s32 $0xFFFF8B00  }
0x34: {  	[spmem:s3] =	stream.indirect.scatter.add.f32 [tilespmem:s21], [sflag:$0x3], $0x30, s19, s20, $0xb8;
	[tilespmem:$0x1AD50] =	vst v63  }
0x35: {  	_ =	swait.ge [sflag:s18], $0x7500  }
0x36: {  	[sflag:s18] =	ssyncset.done $0x0  }
0x37: {  	s1 =	simm.s32 $0x4E0;
	[sflag:s18] =	ssyncadd.s32 $0xFFFF8B00  }
0x38: {  	[tilespmem:s21], [sflag:$0x1] =	stream.indirect.gather [hbm4b:s5+s20], $0x30, s1, s20, $0xb8;
	[tilespmem:$0x1AD50] =	vst v63  }
0x39: {  	_ =	swait.ge [sflag:s25], $0x7500  }
0x3a: {  	[sflag:s25] =	ssyncset.done $0x0  }
0x3b: {  	s30 =	simm.s32 $0x2980;
	[sflag:s25] =	ssyncadd.s32 $0xFFFF8B00  }
0x3c: {  	[spmem:s3] =	stream.indirect.scatter.add.f32 [tilespmem:s22], [sflag:$0x3], $0x30, s30, s20, $0xb8;
	[tilespmem:$0x1AD50] =	vst v63  }
0x3d: {  	_ =	swait.ge [sflag:s18], $0x7500  }
0x3e: {  	[sflag:s18] =	ssyncset.done $0x0  }
0x3f: {  	s31 =	simm.s32 $0x750;
	[sflag:s18] =	ssyncadd.s32 $0xFFFF8B00  }
0x40: {  	[tilespmem:s22], [sflag:$0x2] =	stream.indirect.gather [hbm4b:s5+s20], $0x30, s31, s20, $0xb8;
	[tilespmem:$0x1AD50] =	vst v63  }
0x41: {  	_ =	swait.ge [sflag:s23], $0x7500  }
0x42: {  	[sflag:s23] =	ssyncset.done $0x0  }
0x43: {  	s28 =	simm.s32 $0x2BF0;
	[sflag:s23] =	ssyncadd.s32 $0xFFFF8B00  }
0x44: {  	[spmem:s3] =	stream.indirect.scatter.add.f32 [tilespmem:s21], [sflag:$0x3], $0x30, s28, s20, $0xb8;
	[tilespmem:$0x1AD50] =	vst v63  }
0x45: {  	_ =	swait.ge [sflag:s18], $0x7500  }
0x46: {  	[sflag:s18] =	ssyncset.done $0x0  }
0x47: {  	s29 =	simm.s32 $0x9C0;
	[sflag:s18] =	ssyncadd.s32 $0xFFFF8B00  }
0x48: {  	[tilespmem:s21], [sflag:$0x1] =	stream.indirect.gather [hbm4b:s5+s20], $0x30, s29, s20, $0xb8;
	[tilespmem:$0x1AD50] =	vst v63  }
0x49: {  	_ =	swait.ge [sflag:s25], $0x7500  }
0x4a: {  	[sflag:s25] =	ssyncset.done $0x0  }
0x4b: {  	s30 =	simm.s32 $0x2E60;
	[sflag:s25] =	ssyncadd.s32 $0xFFFF8B00  }
0x4c: {  	[spmem:s3] =	stream.indirect.scatter.add.f32 [tilespmem:s22], [sflag:$0x3], $0x30, s30, s20, $0xb8;
	[tilespmem:$0x1AD50] =	vst v63  }
0x4d: {  	_ =	swait.ge [sflag:s18], $0x7500  }
0x4e: {  	[sflag:s18] =	ssyncset.done $0x0  }
0x4f: {  	s31 =	simm.s32 $0xC30;
	[sflag:s18] =	ssyncadd.s32 $0xFFFF8B00  }
0x50: {  	[tilespmem:s22], [sflag:$0x2] =	stream.indirect.gather [hbm4b:s5+s20], $0x30, s31, s20, $0xb8;
	[tilespmem:$0x1AD50] =	vst v63  }
0x51: {  	_ =	swait.ge [sflag:s23], $0x7500  }
0x52: {  	[sflag:s23] =	ssyncset.done $0x0  }
0x53: {  	s28 =	simm.s32 $0x30D0;
	[sflag:s23] =	ssyncadd.s32 $0xFFFF8B00  }
0x54: {  	[spmem:s3] =	stream.indirect.scatter.add.f32 [tilespmem:s21], [sflag:$0x3], $0x30, s28, s20, $0xb8;
	[tilespmem:$0x1AD50] =	vst v63  }
0x55: {  	_ =	swait.ge [sflag:s18], $0x7500  }
0x56: {  	[sflag:s18] =	ssyncset.done $0x0  }
0x57: {  	s29 =	simm.s32 $0xEA0;
	[sflag:s18] =	ssyncadd.s32 $0xFFFF8B00  }
0x58: {  	[tilespmem:s21], [sflag:$0x1] =	stream.indirect.gather [hbm4b:s5+s20], $0x30, s29, s20, $0xb8;
	[tilespmem:$0x1AD50] =	vst v63  }
0x59: {  	_ =	swait.ge [sflag:s25], $0x7500  }
0x5a: {  	[sflag:s25] =	ssyncset.done $0x0  }
0x5b: {  	s30 =	simm.s32 $0x3340;
	[sflag:s25] =	ssyncadd.s32 $0xFFFF8B00  }
0x5c: {  	[spmem:s3] =	stream.indirect.scatter.add.f32 [tilespmem:s22], [sflag:$0x3], $0x30, s30, s20, $0xb8;
	[tilespmem:$0x1AD50] =	vst v63  }
0x5d: {  	_ =	swait.ge [sflag:s18], $0x7500  }
0x5e: {  	[sflag:s18] =	ssyncset.done $0x0  }
0x5f: {  	s31 =	simm.s32 $0x1110;
	[sflag:s18] =	ssyncadd.s32 $0xFFFF8B00  }
0x60: {  	[tilespmem:s22], [sflag:$0x2] =	stream.indirect.gather [hbm4b:s5+s20], $0x30, s31, s20, $0xb8;
	[tilespmem:$0x1AD50] =	vst v63  }
0x61: {  	_ =	swait.ge [sflag:s23], $0x7500  }
0x62: {  	[sflag:s23] =	ssyncset.done $0x0  }
0x63: {  	s28 =	simm.s32 $0x35B0;
	[sflag:s23] =	ssyncadd.s32 $0xFFFF8B00  }
0x64: {  	[spmem:s3] =	stream.indirect.scatter.add.f32 [tilespmem:s21], [sflag:$0x3], $0x30, s28, s20, $0xb8;
	[tilespmem:$0x1AD50] =	vst v63  }
0x65: {  	_ =	swait.ge [sflag:s18], $0x7500  }
0x66: {  	[sflag:s18] =	ssyncset.done $0x0  }
0x67: {  	s29 =	simm.s32 $0x1380;
	[sflag:s18] =	ssyncadd.s32 $0xFFFF8B00  }
0x68: {  	[tilespmem:s21], [sflag:$0x1] =	stream.indirect.gather [hbm4b:s5+s20], $0x30, s29, s20, $0xb8;
	[tilespmem:$0x1AD50] =	vst v63  }
0x69: {  	_ =	swait.ge [sflag:s25], $0x7500  }
0x6a: {  	[sflag:s25] =	ssyncset.done $0x0  }
0x6b: {  	s30 =	simm.s32 $0x3820;
	[sflag:s25] =	ssyncadd.s32 $0xFFFF8B00  }
0x6c: {  	[spmem:s3] =	stream.indirect.scatter.add.f32 [tilespmem:s22], [sflag:$0x3], $0x30, s30, s20, $0xb8;
	[tilespmem:$0x1AD50] =	vst v63  }
0x6d: {  	_ =	swait.ge [sflag:s18], $0x7500  }
0x6e: {  	[sflag:s18] =	ssyncset.done $0x0  }
0x6f: {  	s31 =	simm.s32 $0x15F0;
	[sflag:s18] =	ssyncadd.s32 $0xFFFF8B00  }
0x70: {  	[tilespmem:s22], [sflag:$0x2] =	stream.indirect.gather [hbm4b:s5+s20], $0x30, s31, s20, $0xb8;
	[tilespmem:$0x1AD50] =	vst v63  }
0x71: {  	_ =	swait.ge [sflag:s23], $0x7500  }
0x72: {  	[sflag:s23] =	ssyncset.done $0x0  }
0x73: {  	s28 =	simm.s32 $0x3A90;
	[sflag:s23] =	ssyncadd.s32 $0xFFFF8B00  }
0x74: {  	[spmem:s3] =	stream.indirect.scatter.add.f32 [tilespmem:s21], [sflag:$0x3], $0x30, s28, s20, $0xb8;
	[tilespmem:$0x1AD50] =	vst v63  }
0x75: {  	_ =	swait.ge [sflag:s18], $0x7500  }
0x76: {  	[sflag:s18] =	ssyncset.done $0x0  }
0x77: {  	s29 =	simm.s32 $0x1860;
	[sflag:s18] =	ssyncadd.s32 $0xFFFF8B00  }
0x78: {  	[tilespmem:s21], [sflag:$0x1] =	stream.indirect.gather [hbm4b:s5+s20], $0x30, s29, s20, $0xb8;
	[tilespmem:$0x1AD50] =	vst v63  }
0x79: {  	_ =	swait.ge [sflag:s25], $0x7500  }
0x7a: {  	[sflag:s25] =	ssyncset.done $0x0  }
0x7b: {  	s30 =	simm.s32 $0x3D00;
	[sflag:s25] =	ssyncadd.s32 $0xFFFF8B00  }
0x7c: {  	[spmem:s3] =	stream.indirect.scatter.add.f32 [tilespmem:s22], [sflag:$0x3], $0x30, s30, s20, $0xb8;
	[tilespmem:$0x1AD50] =	vst v63  }
0x7d: {  	_ =	swait.ge [sflag:s18], $0x7500  }
0x7e: {  	[sflag:s18] =	ssyncset.done $0x0  }
0x7f: {  	s31 =	simm.s32 $0x1AD0;
	[sflag:s18] =	ssyncadd.s32 $0xFFFF8B00  }
0x80: {  	[tilespmem:s22], [sflag:$0x2] =	stream.indirect.gather [hbm4b:s5+s20], $0x30, s31, s20, $0xb8;
	[tilespmem:$0x1AD50] =	vst v63  }
0x81: {  	_ =	swait.ge [sflag:s23], $0x7500  }
0x82: {  	[sflag:s23] =	ssyncset.done $0x0  }
0x83: {  	s28 =	simm.s32 $0x3F70;
	[sflag:s23] =	ssyncadd.s32 $0xFFFF8B00  }
0x84: {  	[spmem:s3] =	stream.indirect.scatter.add.f32 [tilespmem:s21], [sflag:$0x3], $0x30, s28, s20, $0xb8;
	[tilespmem:$0x1AD50] =	vst v63  }
0x85: {  	_ =	swait.ge [sflag:s18], $0x7500  }
0x86: {  	[sflag:s18] =	ssyncset.done $0x0  }
0x87: {  	s29 =	simm.s32 $0x1D40;
	[sflag:s18] =	ssyncadd.s32 $0xFFFF8B00  }
0x88: {  	[tilespmem:s21], [sflag:$0x1] =	stream.indirect.gather [hbm4b:s5+s20], $0x30, s29, s20, $0xb8;
	[tilespmem:$0x1AD50] =	vst v63  }
0x89: {  	_ =	swait.ge [sflag:s25], $0x7500  }
0x8a: {  	[sflag:s25] =	ssyncset.done $0x0  }
0x8b: {  	s30 =	simm.s32 $0x41E0;
	[sflag:s25] =	ssyncadd.s32 $0xFFFF8B00  }
0x8c: {  	[spmem:s3] =	stream.indirect.scatter.add.f32 [tilespmem:s22], [sflag:$0x3], $0x30, s30, s20, $0xb8;
	[tilespmem:$0x1AD50] =	vst v63  }
0x8d: {  	_ =	swait.ge [sflag:s18], $0x7500  }
0x8e: {  	[sflag:s18] =	ssyncset.done $0x0  }
0x8f: {  	s31 =	simm.s32 $0x1FB0;
	[sflag:s18] =	ssyncadd.s32 $0xFFFF8B00  }
0x90: {  	[tilespmem:s22], [sflag:$0x2] =	stream.indirect.gather [hbm4b:s5+s20], $0x30, s31, s20, $0xb8;
	[tilespmem:$0x1AD50] =	vst v63  }
0x91: {  	_ =	swait.ge [sflag:s23], $0x7500  }
0x92: {  	[sflag:s23] =	ssyncset.done $0x0  }
0x93: {  	s28 =	simm.s32 $0x4450;
	[sflag:s23] =	ssyncadd.s32 $0xFFFF8B00  }
0x94: {  	[spmem:s3] =	stream.indirect.scatter.add.f32 [tilespmem:s21], [sflag:$0x3], $0x30, s28, s20, $0xb8;
	[tilespmem:$0x1AD50] =	vst v63  }
0x95: {  	_ =	swait.ge [sflag:s18], $0x7500  }
0x96: {  	[sflag:s18] =	ssyncset.done $0x0  }
0x97: {  	s29 =	simm.s32 $0x2220;
	[sflag:s18] =	ssyncadd.s32 $0xFFFF8B00  }
0x98: {  	[tilespmem:s21], [sflag:$0x1] =	stream.indirect.gather [hbm4b:s5+s20], $0x30, s29, s20, $0xb8;
	[tilespmem:$0x1AD50] =	vst v63  }
0x99: {  	_ =	swait.ge [sflag:s25], $0x7500  }
0x9a: {  	[sflag:s25] =	ssyncset.done $0x0  }
0x9b: {  	s30 =	simm.s32 $0x46C0;
	[sflag:s25] =	ssyncadd.s32 $0xFFFF8B00  }
0x9c: {  	[spmem:s3] =	stream.indirect.scatter.add.f32 [tilespmem:s22], [sflag:$0x3], $0x30, s30, s20, $0xb8;
	[tilespmem:$0x1AD50] =	vst v63  }
0x9d: {  	_ =	swait.ge [sflag:s18], $0x7500  }
0x9e: {  	[sflag:s18] =	ssyncset.done $0x0  }
0x9f: {  	s31 =	simm.s32 $0x2490;
	[sflag:s18] =	ssyncadd.s32 $0xFFFF8B00  }
0xa0: {  	[tilespmem:s22], [sflag:$0x2] =	stream.indirect.gather [hbm4b:s5+s20], $0x30, s31, s20, $0xb8;
	[tilespmem:$0x1AD50] =	vst v63  }
0xa1: {  	_ =	swait.ge [sflag:s23], $0x7500  }
0xa2: {  	[sflag:s23] =	ssyncset.done $0x0  }
0xa3: {  	[sflag:s23] =	ssyncadd.s32 $0xFFFF8B00  }
0xa4: {  	[spmem:s3] =	stream.indirect.scatter.add.f32 [tilespmem:s21], [sflag:$0x3], $0x30, s6, s20, $0xb8;
	[tilespmem:$0x1AD50] =	vst v63  }
0xa5: {  	_ =	swait.ge [sflag:s18], $0x7500  }
0xa6: {  	[sflag:s18] =	ssyncset.done $0x0  }
0xa7: {  	[sflag:s18] =	ssyncadd.s32 $0xFFFF8B00  }
0xa8: {  	_ =	swait.ge [sflag:s25], $0x7500  }
0xa9: {  	[sflag:s25] =	ssyncset.done $0x0  }
0xaa: {  	[sflag:s25] =	ssyncadd.s32 $0xFFFF8B00  }
0xab: {  	[spmem:s3] =	stream.indirect.scatter.add.f32 [tilespmem:s22], [sflag:$0x3], $0x30, s7, s20, $0xb8;
	[tilespmem:$0x1AD50] =	vst v63  }
0xac: {  	_ =	swait.ge [sflag:s18], $0x7500  }
0xad: {  	[sflag:s18] =	ssyncset.done $0x0  }
0xae: {  	[sflag:s18] =	ssyncadd.s32 $0xFFFF8B00  }
0xaf: {  	[tilespmem:s21], [sflag:$0x1] =	stream.indirect.gather [hbm4b:s5+s8], $0x30, s24, s8, $0xb8;
	[tilespmem:$0x1AD50] =	vst v63  }
0xb0: {  	p5 =	por @!p4 $0x1, $0x1;
	p6 =	por p1, p1;
	_ =	swait.ge [sflag:s23], $0x300  }
0xb1: {  	p6 =	por @!p4 p5, p5;
	[sflag:s23] =	ssyncset.done $0x0  }
0xb2: {  	p5 =	por @!p3 !p6, !p0;
	[sflag:s23] =	ssyncadd.s32 $0xFFFFFD00  }
0xb3: {  	[spmem:s3] =	stream.indirect.scatter.add.f32 [tilespmem:s21], [sflag:$0x3], $0x30, s26, s8, $0xb8;
	[tilespmem:$0x1AD50] =	vst v63  }
0xb4: {  	p5 =	por @!p3 !p5, !p5;
	_ =	swait.ge [sflag:s18], $0x300  }
0xb5: {  	s1 =	simm.s32 @p2 $0x6;
	s28 =	sshll.u32 @p2 s0, $0x6;
	[sflag:s18] =	ssyncset.done $0x0  }
0xb6: {  	s28 =	sor.u32 @p2 $0x1C03, s28;
	s29 =	sshrl.u32 @p2 s9, $0x3;
	[sflag:s18] =	ssyncadd.s32 $0xFFFFFD00  }
0xb7: {  	s30 =	simm.s32 @p2 $0x1;
	s31 =	simm.s32 @p2 $0x10;
	[bflag:$0x0] =	sbarrier.arrive $0xFFFF  }
0xb8: {  	[hbm:s12@s31], [sflag:s28] =	dma.strided @p2 [spmem:s29@s1], $0xEA0, s30, $0x6   }
0xb9: {  	p5 =	por p3, p5;
	s1 =	simm.s32 @p2 $0x3  }
0xba: {  	s28 =	sshll.u32 @!p4 s0, $0x6;
	s29 =	simm.s32 @!p4 $0x1;
	_ =	swait.ge @p2 [sflag:s1], $0xEA0  }
0xbb: {  	s30 =	simm.s32 @!p4 $0x10;
	s31 =	simm.s32 @!p4 $0x6;
	[sflag:s1] =	ssyncset.done @p2 $0x0  }
0xbc: {  	[sflag:s1] =	ssyncadd.s32 @p2 $0xFFFFF160;
	s1 =	sor.u32 @!p4 $0x1C03, s28;
	s28 =	sshrl.u32 @!p4 s9, $0x3  }
0xbd: {  	[hbm:s13@s30], [sflag:s1] =	dma.strided @!p4 [spmem:s28@s31], $0xEA0, s29, $0x6   }
.Ltmp2:
0xbe: {  	_ = 	snop;
	(pc) =	sbr.rel @!p5 .LBB2_3-.Ltmp2, $4  }
0xbf: {  	s1 =	simm.s32 @!p4 $0x3  }
0xc0: {  	_ =	swait.ge @!p4 [sflag:s1], $0xEA0  }
0xc1: {  	[sflag:s1] =	ssyncset.done @!p4 $0x0  }
0xc2: {  	[sflag:s1] =	ssyncadd.s32 @!p4 $0xFFFFF160  }
0xc3: {  	s1 =	rddreg [dreg:$0x5]  }
0xc4: {  	s28 =	rddreg [dreg:$0x4]  }
0xc5: {  	s31 =	rddreg [dreg:$0x6]  }
0xc6: {  	s29 =	simm.s32 $0x6;
	s30 =	simm.s32 $0x1FC3;
	s1 =	smov.u32 @p3 s28  }
.Ltmp3:
0xc7: {  	s28 =	sshrl.u32 s31, $0x3;
	s1 =	sadd.s32 $0x24900, s1;
	(pc) =	sbr.rel .LBB2_3-.Ltmp3, $4  }
0xc8: {  	[hbm:s1@s8], [sflag:s30] =	dma.strided [spmem:s28@s29], $0xF00, s23, $0x6   }
0xc9: {  	_ =	swait.ge [sflag:s18], $0xF00  }
0xca: {  	[sflag:s18] =	ssyncset.done $0x0  }
0xcb: {  	[sflag:s18] =	ssyncadd.s32 $0xFFFFF100  }
.LBB2_4:
0xcc: {  	_ =	sfence.sel $0x180000  }
0xcd: {  	[bflag:$0x0] =	sbarrier.arrive $0xFFFF  }
0xce: {  	_ =	strace $0x90000047  }
0xcf: {  	[bflag:$0x2] =	sbarrier.arrive $0xFFFF  }
0xd0: {  	p0 =	sne.s32 s0, $0x0;
	s0 =	rddreg [dreg:$0x3]  }
0xd1: {  	s0 =	sadd.s32 @!p0 $0x100000, s0  }
0xd2: {  	[sflag:s0] =	ssyncadd.tile.s32 @!p0 $0x1;
	_ =	shalt  }
.Lfunc_end2:
_tile_overlayer_lowered:
.L_overlay_start_2:
0xd3: {  	(tag) =	ssettag $0x2  }
0xd4: {  	s0 =	rddreg [dreg:$0x0];
	s2 =	stileid.u32  }
0xd5: {  	s1 =	rddreg [dreg:$0x1];
	p0 =	sne.s32 s2, $0x0  }
0xd6: {  	s3 =	rddreg [dreg:$0x2];
	[bflag:$0x3] =	sbarrier.arrive $0xFFFF;
	s2 =	simm.s32 @!p0 $0x1C03  }
0xd7: {  	[timem:s3], [sflag:s2] =	dma.local @!p0 [hbm:s0], s1  }
0xd8: {  	s0 =	simm.s32 @!p0 $0x3  }
0xd9: {  	_ =	swait.ge @!p0 [sflag:s0], s1  }
0xda: {  	s1 =	ssub.s32 @!p0 $0x0, s1;
	[sflag:s0] =	ssyncset.done @!p0 $0x0  }
0xdb: {  	[sflag:s0] =	ssyncadd.s32 @!p0 s1  }
0xdc: {  	[bflag:$0x3] =	sbarrier.arrive $0xFFFF  }
0xdd: {  	_ =	shalt  }

</sc_bundles>
